<compile_context>
chip_gen: v7x
topology: tpu7x:2x2x1
jax: 0.10.2.dev20260603
libtpu: 0.0.44.dev20260713+nightly
codegen_flags: <defaults>
</compile_context>

<pallas_src>
import functools

import jax
import jax.numpy as jnp
from jax import lax
from jax.experimental import pallas as pl
from jax.experimental.pallas import tpu as pltpu
from jax.experimental.pallas import tpu_sc as plsc

_CYC = 168
_LEN = 512
_B = 1024
_D = 128
_EXT = 680

_info = plsc.get_sparse_core_info()
_NC = _info.num_cores
_NS = _info.num_subcores
_NW = _NC * _NS
_BPW = _B // _NW
_N_SPMEM = 14


def _stage_ext(dst, data_hbm, sem):
    stage = []
    for k in range(_EXT // _CYC):
        stage.append(pltpu.make_async_copy(
            data_hbm, dst.at[pl.ds(k * _CYC, _CYC)], sem))
    tail = _EXT - (_EXT // _CYC) * _CYC
    stage.append(pltpu.make_async_copy(
        data_hbm.at[pl.ds(0, tail)], dst.at[pl.ds(_EXT - tail, tail)], sem))
    for cp in stage:
        cp.start()
    return stage


@functools.partial(
    pl.kernel,
    out_type=jax.ShapeDtypeStruct((_B * _LEN, _D), jnp.float32),
    mesh=plsc.VectorSubcoreMesh(core_axis_name="c", subcore_axis_name="s",
                                num_cores=_NC),
    scratch_types=[
        pltpu.VMEM((_EXT, _D), jnp.float32),
        pltpu.VMEM_SHARED((_EXT, _D), jnp.float32),
        pltpu.VMEM((_BPW,), jnp.int32),
        pltpu.SemaphoreType.DMA,
        pltpu.SemaphoreType.DMA,
        pltpu.SemaphoreType.DMA,
    ],
)
def _cyclic_gather(idx_hbm, data_hbm, out_hbm, ext_v, ext_s, idx_v,
                   sem_t, sem_s, stage_sem):
    sid = lax.axis_index("s")
    wid = sid * _NC + lax.axis_index("c")
    base = wid * _BPW

    idx_cp = pltpu.make_async_copy(idx_hbm.at[pl.ds(base, _BPW)], idx_v,
                                   stage_sem)
    idx_cp.start()
    stage = _stage_ext(ext_v, data_hbm, stage_sem)

    ext_s_stage = []

    @pl.when(sid == 0)
    def _():
        ext_s_stage.extend(_stage_ext(ext_s, data_hbm, stage_sem))

    @pl.when(sid == 0)
    def _():
        for cp in ext_s_stage:
            cp.wait()

    idx_cp.wait()
    for cp in stage:
        cp.wait()
    plsc.subcore_barrier()

    rows = []
    for g in range(_BPW // 16):
        vec = idx_v[pl.ds(g * 16, 16)] % _CYC
        for i in range(16):
            rows.append(vec[i])
    copies = []
    for i in range(_BPW):
        src = ext_s if i < _N_SPMEM else ext_v
        sem = sem_s if i < _N_SPMEM else sem_t
        cp = pltpu.make_async_copy(
            src.at[pl.ds(rows[i], _LEN)],
            out_hbm.at[pl.ds((base + i) * _LEN, _LEN)], sem)
        cp.start()
        copies.append(cp)
    for cp in copies:
        cp.wait()


def kernel(index, length, data):
    del length
    out = _cyclic_gather(index.astype(jnp.int32), data)
    return out.reshape(_B, _LEN, _D)

# --- scband reference (transcript-rebuilt; emitter-appended) ---
"""Pipeline reference for scband-recurrent-cycle-180388627306 (READ-ONLY COPY).

The authoritative reference and input builder live on the scoring server;
editing this copy changes nothing except your own understanding.
"""

import jax, jax.numpy as jnp
import numpy as np

CYCLE_LEN = 168
CHANNEL_SIZE = 128
BATCH = 1024
LENGTH = 512


def setup_inputs(seed: int = 0) -> dict:
    key = jax.random.key(seed)
    k1, k2 = jax.random.split(key)
    index = jax.random.randint(k1, (BATCH,), 0, CYCLE_LEN)
    data = jax.random.normal(k2, (CYCLE_LEN, CHANNEL_SIZE), dtype=jnp.float32) * 0.1
    return {"index": index, "length": LENGTH, "data": data}


def reference(index, length, data):
    # Original torch code rolls `data` by (index[i] % cycle_len) and tiles/truncates
    # to `length` rows per batch element. Equivalently, row j of the output for
    # batch i is data[(index[i] + j) % cycle_len], i.e. a pure modular gather.
    cycle_len = data.shape[0]
    idx = index.astype(jnp.int32)
    offsets = jnp.arange(LENGTH, dtype=jnp.int32) + (
        jnp.asarray(length, dtype=jnp.int32) - LENGTH
    )
    gather_idx = (idx[:, None] + offsets[None, :]) % cycle_len  # [B, length]
    out = jnp.take(data, gather_idx, axis=0)  # [B, length, channel_size]
    return out

if __name__ == "__main__":
    import jax
    _d = setup_inputs()
    print(jax.jit(kernel)(*tuple(_d.values())))

</pallas_src>

<mosaic_0001>
#map = affine_map<(d0, d1) -> (0)>
#map1 = affine_map<(d0, d1) -> (0, 0)>
module attributes {stable_mosaic.version = 14 : i64} {
  func.func @_cyclic_gather(%arg0: i32, %arg1: i32, %arg2: memref<1024xi32, #tpu.memory_space<hbm>>, %arg3: memref<168x128xf32, #tpu.memory_space<hbm>>, %arg4: memref<524288x128xf32, #tpu.memory_space<hbm>>, %arg5: memref<680x128xf32, #tpu.memory_space<vmem>>, %arg6: memref<680x128xf32, #tpu.memory_space<vmem_shared>>, %arg7: memref<32xi32, #tpu.memory_space<vmem>>, %arg8: memref<!tpu.dma_semaphore, #tpu.memory_space<semaphore_mem>>, %arg9: memref<!tpu.dma_semaphore, #tpu.memory_space<semaphore_mem>>, %arg10: memref<!tpu.dma_semaphore, #tpu.memory_space<semaphore_mem>>) attributes {dimension_semantics = [#tpu.dimension_semantics<core_parallel>, #tpu.dimension_semantics<subcore_parallel>], iteration_bounds = array<i64: 2, 16>, scalar_prefetch = 0 : i64, scratch_operands = 6 : i64, tpu.core_type = #tpu.core_type<sc_vector_subcore>, window_params = [{transform_indices = #map}, {transform_indices = #map1}, {transform_indices = #map1}]} {
    %mul3A = arith.constant 2 : i32
    %mul3A_0 = arith.muli %arg1, %mul3A : i32
    %add3A = arith.addi %mul3A_0, %arg0 : i32
    %mul3A_1 = arith.constant 32 : i32
    %mul3A_2 = arith.muli %add3A, %mul3A_1 : i32
    %dma_start3A = tpu.memref_slice %arg2[%mul3A_2] : memref<1024xi32, #tpu.memory_space<hbm>> -> memref<32xi32, #tpu.memory_space<hbm>>
    %dma_start3A_3 = tpu.memref_slice %arg2[%mul3A_2] : memref<1024xi32, #tpu.memory_space<hbm>> -> memref<32xi32, #tpu.memory_space<hbm>>
    tpu.enqueue_dma source(%dma_start3A_3 : memref<32xi32, #tpu.memory_space<hbm>>) target(%arg7 : memref<32xi32, #tpu.memory_space<vmem>>) target_semaphore(%arg10 : memref<!tpu.dma_semaphore, #tpu.memory_space<semaphore_mem>>)
    %dma_start3A_4 = arith.constant 0 : i32
    %dma_start3A_5 = arith.constant 0 : i32
    %dma_start3A_6 = tpu.memref_slice %arg5[%dma_start3A_4, %dma_start3A_5] : memref<680x128xf32, #tpu.memory_space<vmem>> -> memref<168x128xf32, #tpu.memory_space<vmem>>
    %dma_start3A_7 = arith.constant 0 : i32
    %dma_start3A_8 = arith.constant 0 : i32
    %dma_start3A_9 = tpu.memref_slice %arg5[%dma_start3A_7, %dma_start3A_8] : memref<680x128xf32, #tpu.memory_space<vmem>> -> memref<168x128xf32, #tpu.memory_space<vmem>>
    tpu.enqueue_dma source(%arg3 : memref<168x128xf32, #tpu.memory_space<hbm>>) target(%dma_start3A_9 : memref<168x128xf32, #tpu.memory_space<vmem>>) target_semaphore(%arg10 : memref<!tpu.dma_semaphore, #tpu.memory_space<semaphore_mem>>)
    %dma_start3A_10 = arith.constant 168 : i32
    %dma_start3A_11 = arith.constant 0 : i32
    %dma_start3A_12 = tpu.memref_slice %arg5[%dma_start3A_10, %dma_start3A_11] : memref<680x128xf32, #tpu.memory_space<vmem>> -> memref<168x128xf32, #tpu.memory_space<vmem>>
    %dma_start3A_13 = arith.constant 168 : i32
    %dma_start3A_14 = arith.constant 0 : i32
    %dma_start3A_15 = tpu.memref_slice %arg5[%dma_start3A_13, %dma_start3A_14] : memref<680x128xf32, #tpu.memory_space<vmem>> -> memref<168x128xf32, #tpu.memory_space<vmem>>
    tpu.enqueue_dma source(%arg3 : memref<168x128xf32, #tpu.memory_space<hbm>>) target(%dma_start3A_15 : memref<168x128xf32, #tpu.memory_space<vmem>>) target_semaphore(%arg10 : memref<!tpu.dma_semaphore, #tpu.memory_space<semaphore_mem>>)
    %dma_start3A_16 = arith.constant 336 : i32
    %dma_start3A_17 = arith.constant 0 : i32
    %dma_start3A_18 = tpu.memref_slice %arg5[%dma_start3A_16, %dma_start3A_17] : memref<680x128xf32, #tpu.memory_space<vmem>> -> memref<168x128xf32, #tpu.memory_space<vmem>>
    %dma_start3A_19 = arith.constant 336 : i32
    %dma_start3A_20 = arith.constant 0 : i32
    %dma_start3A_21 = tpu.memref_slice %arg5[%dma_start3A_19, %dma_start3A_20] : memref<680x128xf32, #tpu.memory_space<vmem>> -> memref<168x128xf32, #tpu.memory_space<vmem>>
    tpu.enqueue_dma source(%arg3 : memref<168x128xf32, #tpu.memory_space<hbm>>) target(%dma_start3A_21 : memref<168x128xf32, #tpu.memory_space<vmem>>) target_semaphore(%arg10 : memref<!tpu.dma_semaphore, #tpu.memory_space<semaphore_mem>>)
    %dma_start3A_22 = arith.constant 504 : i32
    %dma_start3A_23 = arith.constant 0 : i32
    %dma_start3A_24 = tpu.memref_slice %arg5[%dma_start3A_22, %dma_start3A_23] : memref<680x128xf32, #tpu.memory_space<vmem>> -> memref<168x128xf32, #tpu.memory_space<vmem>>
    %dma_start3A_25 = arith.constant 504 : i32
    %dma_start3A_26 = arith.constant 0 : i32
    %dma_start3A_27 = tpu.memref_slice %arg5[%dma_start3A_25, %dma_start3A_26] : memref<680x128xf32, #tpu.memory_space<vmem>> -> memref<168x128xf32, #tpu.memory_space<vmem>>
    tpu.enqueue_dma source(%arg3 : memref<168x128xf32, #tpu.memory_space<hbm>>) target(%dma_start3A_27 : memref<168x128xf32, #tpu.memory_space<vmem>>) target_semaphore(%arg10 : memref<!tpu.dma_semaphore, #tpu.memory_space<semaphore_mem>>)
    %dma_start3A_28 = arith.constant 672 : i32
    %dma_start3A_29 = arith.constant 0 : i32
    %dma_start3A_30 = tpu.memref_slice %arg5[%dma_start3A_28, %dma_start3A_29] : memref<680x128xf32, #tpu.memory_space<vmem>> -> memref<8x128xf32, #tpu.memory_space<vmem>>
    %dma_start3A_31 = arith.constant 0 : i32
    %dma_start3A_32 = arith.constant 0 : i32
    %dma_start3A_33 = tpu.memref_slice %arg3[%dma_start3A_31, %dma_start3A_32] : memref<168x128xf32, #tpu.memory_space<hbm>> -> memref<8x128xf32, #tpu.memory_space<hbm>>
    %dma_start3A_34 = arith.constant 672 : i32
    %dma_start3A_35 = arith.constant 0 : i32
    %dma_start3A_36 = tpu.memref_slice %arg5[%dma_start3A_34, %dma_start3A_35] : memref<680x128xf32, #tpu.memory_space<vmem>> -> memref<8x128xf32, #tpu.memory_space<vmem>>
    %dma_start3A_37 = arith.constant 0 : i32
    %dma_start3A_38 = arith.constant 0 : i32
    %dma_start3A_39 = tpu.memref_slice %arg3[%dma_start3A_37, %dma_start3A_38] : memref<168x128xf32, #tpu.memory_space<hbm>> -> memref<8x128xf32, #tpu.memory_space<hbm>>
    tpu.enqueue_dma source(%dma_start3A_39 : memref<8x128xf32, #tpu.memory_space<hbm>>) target(%dma_start3A_36 : memref<8x128xf32, #tpu.memory_space<vmem>>) target_semaphore(%arg10 : memref<!tpu.dma_semaphore, #tpu.memory_space<semaphore_mem>>)
    %eq3A = arith.constant 0 : i32
    %eq3A_40 = arith.cmpi eq, %arg1, %eq3A : i32
    %convert_element_type3A = arith.extui %eq3A_40 : i1 to i32
    %cond3A = arith.constant 0 : i32
    %cond3A_41 = arith.cmpi ne, %convert_element_type3A, %cond3A : i32
    scf.if %cond3A_41 {
      %dma_start3A_717 = arith.constant 0 : i32
      %dma_start3A_718 = arith.constant 0 : i32
      %dma_start3A_719 = tpu.memref_slice %arg6[%dma_start3A_717, %dma_start3A_718] : memref<680x128xf32, #tpu.memory_space<vmem_shared>> -> memref<168x128xf32, #tpu.memory_space<vmem_shared>>
      tpu.enqueue_dma source(%arg3 : memref<168x128xf32, #tpu.memory_space<hbm>>) target(%dma_start3A_719 : memref<168x128xf32, #tpu.memory_space<vmem_shared>>) target_semaphore(%arg10 : memref<!tpu.dma_semaphore, #tpu.memory_space<semaphore_mem>>)
      %dma_start3A_720 = arith.constant 168 : i32
      %dma_start3A_721 = arith.constant 0 : i32
      %dma_start3A_722 = tpu.memref_slice %arg6[%dma_start3A_720, %dma_start3A_721] : memref<680x128xf32, #tpu.memory_space<vmem_shared>> -> memref<168x128xf32, #tpu.memory_space<vmem_shared>>
      tpu.enqueue_dma source(%arg3 : memref<168x128xf32, #tpu.memory_space<hbm>>) target(%dma_start3A_722 : memref<168x128xf32, #tpu.memory_space<vmem_shared>>) target_semaphore(%arg10 : memref<!tpu.dma_semaphore, #tpu.memory_space<semaphore_mem>>)
      %dma_start3A_723 = arith.constant 336 : i32
      %dma_start3A_724 = arith.constant 0 : i32
      %dma_start3A_725 = tpu.memref_slice %arg6[%dma_start3A_723, %dma_start3A_724] : memref<680x128xf32, #tpu.memory_space<vmem_shared>> -> memref<168x128xf32, #tpu.memory_space<vmem_shared>>
      tpu.enqueue_dma source(%arg3 : memref<168x128xf32, #tpu.memory_space<hbm>>) target(%dma_start3A_725 : memref<168x128xf32, #tpu.memory_space<vmem_shared>>) target_semaphore(%arg10 : memref<!tpu.dma_semaphore, #tpu.memory_space<semaphore_mem>>)
      %dma_start3A_726 = arith.constant 504 : i32
      %dma_start3A_727 = arith.constant 0 : i32
      %dma_start3A_728 = tpu.memref_slice %arg6[%dma_start3A_726, %dma_start3A_727] : memref<680x128xf32, #tpu.memory_space<vmem_shared>> -> memref<168x128xf32, #tpu.memory_space<vmem_shared>>
      tpu.enqueue_dma source(%arg3 : memref<168x128xf32, #tpu.memory_space<hbm>>) target(%dma_start3A_728 : memref<168x128xf32, #tpu.memory_space<vmem_shared>>) target_semaphore(%arg10 : memref<!tpu.dma_semaphore, #tpu.memory_space<semaphore_mem>>)
      %dma_start3A_729 = arith.constant 672 : i32
      %dma_start3A_730 = arith.constant 0 : i32
      %dma_start3A_731 = tpu.memref_slice %arg6[%dma_start3A_729, %dma_start3A_730] : memref<680x128xf32, #tpu.memory_space<vmem_shared>> -> memref<8x128xf32, #tpu.memory_space<vmem_shared>>
      %dma_start3A_732 = arith.constant 0 : i32
      %dma_start3A_733 = arith.constant 0 : i32
      %dma_start3A_734 = tpu.memref_slice %arg3[%dma_start3A_732, %dma_start3A_733] : memref<168x128xf32, #tpu.memory_space<hbm>> -> memref<8x128xf32, #tpu.memory_space<hbm>>
      tpu.enqueue_dma source(%dma_start3A_734 : memref<8x128xf32, #tpu.memory_space<hbm>>) target(%dma_start3A_731 : memref<8x128xf32, #tpu.memory_space<vmem_shared>>) target_semaphore(%arg10 : memref<!tpu.dma_semaphore, #tpu.memory_space<semaphore_mem>>)
    } else {
    }
    %eq3A_42 = arith.constant 0 : i32
    %eq3A_43 = arith.cmpi eq, %arg1, %eq3A_42 : i32
    %convert_element_type3A_44 = arith.extui %eq3A_43 : i1 to i32
    %cond3A_45 = arith.constant 0 : i32
    %cond3A_46 = arith.cmpi ne, %convert_element_type3A_44, %cond3A_45 : i32
    scf.if %cond3A_46 {
      %dma_wait3A_717 = arith.constant 0 : i32
      %dma_wait3A_718 = arith.constant 0 : i32
      %dma_wait3A_719 = tpu.memref_slice %arg6[%dma_wait3A_717, %dma_wait3A_718] : memref<680x128xf32, #tpu.memory_space<vmem_shared>> -> memref<168x128xf32, #tpu.memory_space<vmem_shared>>
      tpu.wait_dma2 semaphore(%arg10 : memref<!tpu.dma_semaphore, #tpu.memory_space<semaphore_mem>>) src(%arg3 : memref<168x128xf32, #tpu.memory_space<hbm>>) dst(%dma_wait3A_719 : memref<168x128xf32, #tpu.memory_space<vmem_shared>>)
      %dma_wait3A_720 = arith.constant 168 : i32
      %dma_wait3A_721 = arith.constant 0 : i32
      %dma_wait3A_722 = tpu.memref_slice %arg6[%dma_wait3A_720, %dma_wait3A_721] : memref<680x128xf32, #tpu.memory_space<vmem_shared>> -> memref<168x128xf32, #tpu.memory_space<vmem_shared>>
      tpu.wait_dma2 semaphore(%arg10 : memref<!tpu.dma_semaphore, #tpu.memory_space<semaphore_mem>>) src(%arg3 : memref<168x128xf32, #tpu.memory_space<hbm>>) dst(%dma_wait3A_722 : memref<168x128xf32, #tpu.memory_space<vmem_shared>>)
      %dma_wait3A_723 = arith.constant 336 : i32
      %dma_wait3A_724 = arith.constant 0 : i32
      %dma_wait3A_725 = tpu.memref_slice %arg6[%dma_wait3A_723, %dma_wait3A_724] : memref<680x128xf32, #tpu.memory_space<vmem_shared>> -> memref<168x128xf32, #tpu.memory_space<vmem_shared>>
      tpu.wait_dma2 semaphore(%arg10 : memref<!tpu.dma_semaphore, #tpu.memory_space<semaphore_mem>>) src(%arg3 : memref<168x128xf32, #tpu.memory_space<hbm>>) dst(%dma_wait3A_725 : memref<168x128xf32, #tpu.memory_space<vmem_shared>>)
      %dma_wait3A_726 = arith.constant 504 : i32
      %dma_wait3A_727 = arith.constant 0 : i32
      %dma_wait3A_728 = tpu.memref_slice %arg6[%dma_wait3A_726, %dma_wait3A_727] : memref<680x128xf32, #tpu.memory_space<vmem_shared>> -> memref<168x128xf32, #tpu.memory_space<vmem_shared>>
      tpu.wait_dma2 semaphore(%arg10 : memref<!tpu.dma_semaphore, #tpu.memory_space<semaphore_mem>>) src(%arg3 : memref<168x128xf32, #tpu.memory_space<hbm>>) dst(%dma_wait3A_728 : memref<168x128xf32, #tpu.memory_space<vmem_shared>>)
      %dma_wait3A_729 = arith.constant 672 : i32
      %dma_wait3A_730 = arith.constant 0 : i32
      %dma_wait3A_731 = tpu.memref_slice %arg6[%dma_wait3A_729, %dma_wait3A_730] : memref<680x128xf32, #tpu.memory_space<vmem_shared>> -> memref<8x128xf32, #tpu.memory_space<vmem_shared>>
      %dma_wait3A_732 = arith.constant 0 : i32
      %dma_wait3A_733 = arith.constant 0 : i32
      %dma_wait3A_734 = tpu.memref_slice %arg3[%dma_wait3A_732, %dma_wait3A_733] : memref<168x128xf32, #tpu.memory_space<hbm>> -> memref<8x128xf32, #tpu.memory_space<hbm>>
      tpu.wait_dma2 semaphore(%arg10 : memref<!tpu.dma_semaphore, #tpu.memory_space<semaphore_mem>>) src(%dma_wait3A_734 : memref<8x128xf32, #tpu.memory_space<hbm>>) dst(%dma_wait3A_731 : memref<8x128xf32, #tpu.memory_space<vmem_shared>>)
    } else {
    }
    %dma_wait3A = tpu.memref_slice %arg2[%mul3A_2] : memref<1024xi32, #tpu.memory_space<hbm>> -> memref<32xi32, #tpu.memory_space<hbm>>
    %dma_wait3A_47 = tpu.memref_slice %arg2[%mul3A_2] : memref<1024xi32, #tpu.memory_space<hbm>> -> memref<32xi32, #tpu.memory_space<hbm>>
    tpu.wait_dma2 semaphore(%arg10 : memref<!tpu.dma_semaphore, #tpu.memory_space<semaphore_mem>>) src(%dma_wait3A_47 : memref<32xi32, #tpu.memory_space<hbm>>) dst(%arg7 : memref<32xi32, #tpu.memory_space<vmem>>)
    %dma_wait3A_48 = arith.constant 0 : i32
    %dma_wait3A_49 = arith.constant 0 : i32
    %dma_wait3A_50 = tpu.memref_slice %arg5[%dma_wait3A_48, %dma_wait3A_49] : memref<680x128xf32, #tpu.memory_space<vmem>> -> memref<168x128xf32, #tpu.memory_space<vmem>>
    %dma_wait3A_51 = arith.constant 0 : i32
    %dma_wait3A_52 = arith.constant 0 : i32
    %dma_wait3A_53 = tpu.memref_slice %arg5[%dma_wait3A_51, %dma_wait3A_52] : memref<680x128xf32, #tpu.memory_space<vmem>> -> memref<168x128xf32, #tpu.memory_space<vmem>>
    tpu.wait_dma2 semaphore(%arg10 : memref<!tpu.dma_semaphore, #tpu.memory_space<semaphore_mem>>) src(%arg3 : memref<168x128xf32, #tpu.memory_space<hbm>>) dst(%dma_wait3A_53 : memref<168x128xf32, #tpu.memory_space<vmem>>)
    %dma_wait3A_54 = arith.constant 168 : i32
    %dma_wait3A_55 = arith.constant 0 : i32
    %dma_wait3A_56 = tpu.memref_slice %arg5[%dma_wait3A_54, %dma_wait3A_55] : memref<680x128xf32, #tpu.memory_space<vmem>> -> memref<168x128xf32, #tpu.memory_space<vmem>>
    %dma_wait3A_57 = arith.constant 168 : i32
    %dma_wait3A_58 = arith.constant 0 : i32
    %dma_wait3A_59 = tpu.memref_slice %arg5[%dma_wait3A_57, %dma_wait3A_58] : memref<680x128xf32, #tpu.memory_space<vmem>> -> memref<168x128xf32, #tpu.memory_space<vmem>>
    tpu.wait_dma2 semaphore(%arg10 : memref<!tpu.dma_semaphore, #tpu.memory_space<semaphore_mem>>) src(%arg3 : memref<168x128xf32, #tpu.memory_space<hbm>>) dst(%dma_wait3A_59 : memref<168x128xf32, #tpu.memory_space<vmem>>)
    %dma_wait3A_60 = arith.constant 336 : i32
    %dma_wait3A_61 = arith.constant 0 : i32
    %dma_wait3A_62 = tpu.memref_slice %arg5[%dma_wait3A_60, %dma_wait3A_61] : memref<680x128xf32, #tpu.memory_space<vmem>> -> memref<168x128xf32, #tpu.memory_space<vmem>>
    %dma_wait3A_63 = arith.constant 336 : i32
    %dma_wait3A_64 = arith.constant 0 : i32
    %dma_wait3A_65 = tpu.memref_slice %arg5[%dma_wait3A_63, %dma_wait3A_64] : memref<680x128xf32, #tpu.memory_space<vmem>> -> memref<168x128xf32, #tpu.memory_space<vmem>>
    tpu.wait_dma2 semaphore(%arg10 : memref<!tpu.dma_semaphore, #tpu.memory_space<semaphore_mem>>) src(%arg3 : memref<168x128xf32, #tpu.memory_space<hbm>>) dst(%dma_wait3A_65 : memref<168x128xf32, #tpu.memory_space<vmem>>)
    %dma_wait3A_66 = arith.constant 504 : i32
    %dma_wait3A_67 = arith.constant 0 : i32
    %dma_wait3A_68 = tpu.memref_slice %arg5[%dma_wait3A_66, %dma_wait3A_67] : memref<680x128xf32, #tpu.memory_space<vmem>> -> memref<168x128xf32, #tpu.memory_space<vmem>>
    %dma_wait3A_69 = arith.constant 504 : i32
    %dma_wait3A_70 = arith.constant 0 : i32
    %dma_wait3A_71 = tpu.memref_slice %arg5[%dma_wait3A_69, %dma_wait3A_70] : memref<680x128xf32, #tpu.memory_space<vmem>> -> memref<168x128xf32, #tpu.memory_space<vmem>>
    tpu.wait_dma2 semaphore(%arg10 : memref<!tpu.dma_semaphore, #tpu.memory_space<semaphore_mem>>) src(%arg3 : memref<168x128xf32, #tpu.memory_space<hbm>>) dst(%dma_wait3A_71 : memref<168x128xf32, #tpu.memory_space<vmem>>)
    %dma_wait3A_72 = arith.constant 672 : i32
    %dma_wait3A_73 = arith.constant 0 : i32
    %dma_wait3A_74 = tpu.memref_slice %arg5[%dma_wait3A_72, %dma_wait3A_73] : memref<680x128xf32, #tpu.memory_space<vmem>> -> memref<8x128xf32, #tpu.memory_space<vmem>>
    %dma_wait3A_75 = arith.constant 0 : i32
    %dma_wait3A_76 = arith.constant 0 : i32
    %dma_wait3A_77 = tpu.memref_slice %arg3[%dma_wait3A_75, %dma_wait3A_76] : memref<168x128xf32, #tpu.memory_space<hbm>> -> memref<8x128xf32, #tpu.memory_space<hbm>>
    %dma_wait3A_78 = arith.constant 672 : i32
    %dma_wait3A_79 = arith.constant 0 : i32
    %dma_wait3A_80 = tpu.memref_slice %arg5[%dma_wait3A_78, %dma_wait3A_79] : memref<680x128xf32, #tpu.memory_space<vmem>> -> memref<8x128xf32, #tpu.memory_space<vmem>>
    %dma_wait3A_81 = arith.constant 0 : i32
    %dma_wait3A_82 = arith.constant 0 : i32
    %dma_wait3A_83 = tpu.memref_slice %arg3[%dma_wait3A_81, %dma_wait3A_82] : memref<168x128xf32, #tpu.memory_space<hbm>> -> memref<8x128xf32, #tpu.memory_space<hbm>>
    tpu.wait_dma2 semaphore(%arg10 : memref<!tpu.dma_semaphore, #tpu.memory_space<semaphore_mem>>) src(%dma_wait3A_83 : memref<8x128xf32, #tpu.memory_space<hbm>>) dst(%dma_wait3A_80 : memref<8x128xf32, #tpu.memory_space<vmem>>)
    %barrier3A = arith.constant 0 : index
    tpu.barrier barrier_id(%barrier3A)
    %get3A = arith.constant 0 : index
    %get3A_84 = tpu.vector_load %arg7[%get3A] {strides = array<i32>} : memref<32xi32, #tpu.memory_space<vmem>>, vector<16xi32>,
    %get3A_85 = vector.shape_cast %get3A_84 : vector<16xi32> to vector<16xi32>
    %jit3A = arith.constant 168 : i32
    %eq3A_86 = arith.constant 0 : i32
    %eq3A_87 = arith.cmpi eq, %jit3A, %eq3A_86 : i32
    %jit3A_88 = arith.constant 1 : i32
    %select_n3A = arith.select %eq3A_87, %jit3A_88, %jit3A : i32
    %rem3A = vector.broadcast %select_n3A : i32 to vector<16xi32>
    %rem3A_89 = arith.remsi %get3A_85, %rem3A : vector<16xi32>
    %ne3A = arith.constant 0 : i32
    %ne3A_90 = vector.broadcast %ne3A : i32 to vector<16xi32>
    %ne3A_91 = arith.cmpi ne, %rem3A_89, %ne3A_90 : vector<16xi32>
    %lt3A = arith.constant 0 : i32
    %lt3A_92 = vector.broadcast %lt3A : i32 to vector<16xi32>
    %lt3A_93 = arith.cmpi slt, %rem3A_89, %lt3A_92 : vector<16xi32>
    %lt3A_94 = arith.constant 0 : i32
    %lt3A_95 = arith.cmpi slt, %select_n3A, %lt3A_94 : i32
    %ne3A_96 = vector.broadcast %lt3A_95 : i1 to vector<16xi1>
    %ne3A_97 = vector.broadcast %ne3A_96 : vector<16xi1> to vector<16xi1>
    %ne3A_98 = arith.xori %lt3A_93, %ne3A_97 : vector<16xi1>
    %and3A = arith.andi %ne3A_98, %ne3A_91 : vector<16xi1>
    %add3A_99 = vector.broadcast %select_n3A : i32 to vector<16xi32>
    %add3A_100 = arith.addi %rem3A_89, %add3A_99 : vector<16xi32>
    %select_n3A_101 = arith.select %and3A, %add3A_100, %rem3A_89 : vector<16xi1>, vector<16xi32>
    %slice3A = vector.extract_strided_slice %select_n3A_101 {offsets = [0], sizes = [1], strides = [1]} : vector<16xi32> to vector<1xi32>
    %squeeze3A = vector.extract %slice3A[0] : i32 from vector<1xi32>
    %slice3A_102 = vector.extract_strided_slice %select_n3A_101 {offsets = [1], sizes = [1], strides = [1]} : vector<16xi32> to vector<1xi32>
    %squeeze3A_103 = vector.extract %slice3A_102[0] : i32 from vector<1xi32>
    %slice3A_104 = vector.extract_strided_slice %select_n3A_101 {offsets = [2], sizes = [1], strides = [1]} : vector<16xi32> to vector<1xi32>
    %squeeze3A_105 = vector.extract %slice3A_104[0] : i32 from vector<1xi32>
    %slice3A_106 = vector.extract_strided_slice %select_n3A_101 {offsets = [3], sizes = [1], strides = [1]} : vector<16xi32> to vector<1xi32>
    %squeeze3A_107 = vector.extract %slice3A_106[0] : i32 from vector<1xi32>
    %slice3A_108 = vector.extract_strided_slice %select_n3A_101 {offsets = [4], sizes = [1], strides = [1]} : vector<16xi32> to vector<1xi32>
    %squeeze3A_109 = vector.extract %slice3A_108[0] : i32 from vector<1xi32>
    %slice3A_110 = vector.extract_strided_slice %select_n3A_101 {offsets = [5], sizes = [1], strides = [1]} : vector<16xi32> to vector<1xi32>
    %squeeze3A_111 = vector.extract %slice3A_110[0] : i32 from vector<1xi32>
    %slice3A_112 = vector.extract_strided_slice %select_n3A_101 {offsets = [6], sizes = [1], strides = [1]} : vector<16xi32> to vector<1xi32>
    %squeeze3A_113 = vector.extract %slice3A_112[0] : i32 from vector<1xi32>
    %slice3A_114 = vector.extract_strided_slice %select_n3A_101 {offsets = [7], sizes = [1], strides = [1]} : vector<16xi32> to vector<1xi32>
    %squeeze3A_115 = vector.extract %slice3A_114[0] : i32 from vector<1xi32>
    %slice3A_116 = vector.extract_strided_slice %select_n3A_101 {offsets = [8], sizes = [1], strides = [1]} : vector<16xi32> to vector<1xi32>
    %squeeze3A_117 = vector.extract %slice3A_116[0] : i32 from vector<1xi32>
    %slice3A_118 = vector.extract_strided_slice %select_n3A_101 {offsets = [9], sizes = [1], strides = [1]} : vector<16xi32> to vector<1xi32>
    %squeeze3A_119 = vector.extract %slice3A_118[0] : i32 from vector<1xi32>
    %slice3A_120 = vector.extract_strided_slice %select_n3A_101 {offsets = [10], sizes = [1], strides = [1]} : vector<16xi32> to vector<1xi32>
    %squeeze3A_121 = vector.extract %slice3A_120[0] : i32 from vector<1xi32>
    %slice3A_122 = vector.extract_strided_slice %select_n3A_101 {offsets = [11], sizes = [1], strides = [1]} : vector<16xi32> to vector<1xi32>
    %squeeze3A_123 = vector.extract %slice3A_122[0] : i32 from vector<1xi32>
    %slice3A_124 = vector.extract_strided_slice %select_n3A_101 {offsets = [12], sizes = [1], strides = [1]} : vector<16xi32> to vector<1xi32>
    %squeeze3A_125 = vector.extract %slice3A_124[0] : i32 from vector<1xi32>
    %slice3A_126 = vector.extract_strided_slice %select_n3A_101 {offsets = [13], sizes = [1], strides = [1]} : vector<16xi32> to vector<1xi32>
    %squeeze3A_127 = vector.extract %slice3A_126[0] : i32 from vector<1xi32>
    %slice3A_128 = vector.extract_strided_slice %select_n3A_101 {offsets = [14], sizes = [1], strides = [1]} : vector<16xi32> to vector<1xi32>
    %squeeze3A_129 = vector.extract %slice3A_128[0] : i32 from vector<1xi32>
    %slice3A_130 = vector.extract_strided_slice %select_n3A_101 {offsets = [15], sizes = [1], strides = [1]} : vector<16xi32> to vector<1xi32>
    %squeeze3A_131 = vector.extract %slice3A_130[0] : i32 from vector<1xi32>
    %get3A_132 = arith.constant 16 : index
    %get3A_133 = tpu.vector_load %arg7[%get3A_132] {strides = array<i32>} : memref<32xi32, #tpu.memory_space<vmem>>, vector<16xi32>,
    %get3A_134 = vector.shape_cast %get3A_133 : vector<16xi32> to vector<16xi32>
    %jit3A_135 = arith.constant 168 : i32
    %eq3A_136 = arith.constant 0 : i32
    %eq3A_137 = arith.cmpi eq, %jit3A_135, %eq3A_136 : i32
    %jit3A_138 = arith.constant 1 : i32
    %select_n3A_139 = arith.select %eq3A_137, %jit3A_138, %jit3A_135 : i32
    %rem3A_140 = vector.broadcast %select_n3A_139 : i32 to vector<16xi32>
    %rem3A_141 = arith.remsi %get3A_134, %rem3A_140 : vector<16xi32>
    %ne3A_142 = arith.constant 0 : i32
    %ne3A_143 = vector.broadcast %ne3A_142 : i32 to vector<16xi32>
    %ne3A_144 = arith.cmpi ne, %rem3A_141, %ne3A_143 : vector<16xi32>
    %lt3A_145 = arith.constant 0 : i32
    %lt3A_146 = vector.broadcast %lt3A_145 : i32 to vector<16xi32>
    %lt3A_147 = arith.cmpi slt, %rem3A_141, %lt3A_146 : vector<16xi32>
    %lt3A_148 = arith.constant 0 : i32
    %lt3A_149 = arith.cmpi slt, %select_n3A_139, %lt3A_148 : i32
    %ne3A_150 = vector.broadcast %lt3A_149 : i1 to vector<16xi1>
    %ne3A_151 = vector.broadcast %ne3A_150 : vector<16xi1> to vector<16xi1>
    %ne3A_152 = arith.xori %lt3A_147, %ne3A_151 : vector<16xi1>
    %and3A_153 = arith.andi %ne3A_152, %ne3A_144 : vector<16xi1>
    %add3A_154 = vector.broadcast %select_n3A_139 : i32 to vector<16xi32>
    %add3A_155 = arith.addi %rem3A_141, %add3A_154 : vector<16xi32>
    %select_n3A_156 = arith.select %and3A_153, %add3A_155, %rem3A_141 : vector<16xi1>, vector<16xi32>
    %slice3A_157 = vector.extract_strided_slice %select_n3A_156 {offsets = [0], sizes = [1], strides = [1]} : vector<16xi32> to vector<1xi32>
    %squeeze3A_158 = vector.extract %slice3A_157[0] : i32 from vector<1xi32>
    %slice3A_159 = vector.extract_strided_slice %select_n3A_156 {offsets = [1], sizes = [1], strides = [1]} : vector<16xi32> to vector<1xi32>
    %squeeze3A_160 = vector.extract %slice3A_159[0] : i32 from vector<1xi32>
    %slice3A_161 = vector.extract_strided_slice %select_n3A_156 {offsets = [2], sizes = [1], strides = [1]} : vector<16xi32> to vector<1xi32>
    %squeeze3A_162 = vector.extract %slice3A_161[0] : i32 from vector<1xi32>
    %slice3A_163 = vector.extract_strided_slice %select_n3A_156 {offsets = [3], sizes = [1], strides = [1]} : vector<16xi32> to vector<1xi32>
    %squeeze3A_164 = vector.extract %slice3A_163[0] : i32 from vector<1xi32>
    %slice3A_165 = vector.extract_strided_slice %select_n3A_156 {offsets = [4], sizes = [1], strides = [1]} : vector<16xi32> to vector<1xi32>
    %squeeze3A_166 = vector.extract %slice3A_165[0] : i32 from vector<1xi32>
    %slice3A_167 = vector.extract_strided_slice %select_n3A_156 {offsets = [5], sizes = [1], strides = [1]} : vector<16xi32> to vector<1xi32>
    %squeeze3A_168 = vector.extract %slice3A_167[0] : i32 from vector<1xi32>
    %slice3A_169 = vector.extract_strided_slice %select_n3A_156 {offsets = [6], sizes = [1], strides = [1]} : vector<16xi32> to vector<1xi32>
    %squeeze3A_170 = vector.extract %slice3A_169[0] : i32 from vector<1xi32>
    %slice3A_171 = vector.extract_strided_slice %select_n3A_156 {offsets = [7], sizes = [1], strides = [1]} : vector<16xi32> to vector<1xi32>
    %squeeze3A_172 = vector.extract %slice3A_171[0] : i32 from vector<1xi32>
    %slice3A_173 = vector.extract_strided_slice %select_n3A_156 {offsets = [8], sizes = [1], strides = [1]} : vector<16xi32> to vector<1xi32>
    %squeeze3A_174 = vector.extract %slice3A_173[0] : i32 from vector<1xi32>
    %slice3A_175 = vector.extract_strided_slice %select_n3A_156 {offsets = [9], sizes = [1], strides = [1]} : vector<16xi32> to vector<1xi32>
    %squeeze3A_176 = vector.extract %slice3A_175[0] : i32 from vector<1xi32>
    %slice3A_177 = vector.extract_strided_slice %select_n3A_156 {offsets = [10], sizes = [1], strides = [1]} : vector<16xi32> to vector<1xi32>
    %squeeze3A_178 = vector.extract %slice3A_177[0] : i32 from vector<1xi32>
    %slice3A_179 = vector.extract_strided_slice %select_n3A_156 {offsets = [11], sizes = [1], strides = [1]} : vector<16xi32> to vector<1xi32>
    %squeeze3A_180 = vector.extract %slice3A_179[0] : i32 from vector<1xi32>
    %slice3A_181 = vector.extract_strided_slice %select_n3A_156 {offsets = [12], sizes = [1], strides = [1]} : vector<16xi32> to vector<1xi32>
    %squeeze3A_182 = vector.extract %slice3A_181[0] : i32 from vector<1xi32>
    %slice3A_183 = vector.extract_strided_slice %select_n3A_156 {offsets = [13], sizes = [1], strides = [1]} : vector<16xi32> to vector<1xi32>
    %squeeze3A_184 = vector.extract %slice3A_183[0] : i32 from vector<1xi32>
    %slice3A_185 = vector.extract_strided_slice %select_n3A_156 {offsets = [14], sizes = [1], strides = [1]} : vector<16xi32> to vector<1xi32>
    %squeeze3A_186 = vector.extract %slice3A_185[0] : i32 from vector<1xi32>
    %slice3A_187 = vector.extract_strided_slice %select_n3A_156 {offsets = [15], sizes = [1], strides = [1]} : vector<16xi32> to vector<1xi32>
    %squeeze3A_188 = vector.extract %slice3A_187[0] : i32 from vector<1xi32>
    %add3A_189 = arith.constant 0 : i32
    %add3A_190 = arith.addi %mul3A_2, %add3A_189 : i32
    %mul3A_191 = arith.constant 512 : i32
    %mul3A_192 = arith.muli %add3A_190, %mul3A_191 : i32
    %dma_start3A_193 = arith.constant 0 : i32
    %dma_start3A_194 = tpu.memref_slice %arg4[%mul3A_192, %dma_start3A_193] : memref<524288x128xf32, #tpu.memory_space<hbm>> -> memref<512x128xf32, #tpu.memory_space<hbm>>
    %dma_start3A_195 = arith.constant 0 : i32
    %dma_start3A_196 = tpu.memref_slice %arg6[%squeeze3A, %dma_start3A_195] : memref<680x128xf32, #tpu.memory_space<vmem_shared>> -> memref<512x128xf32, #tpu.memory_space<vmem_shared>>
    tpu.enqueue_dma source(%dma_start3A_196 : memref<512x128xf32, #tpu.memory_space<vmem_shared>>) target(%dma_start3A_194 : memref<512x128xf32, #tpu.memory_space<hbm>>) target_semaphore(%arg9 : memref<!tpu.dma_semaphore, #tpu.memory_space<semaphore_mem>>)
    %add3A_197 = arith.constant 1 : i32
    %add3A_198 = arith.addi %mul3A_2, %add3A_197 : i32
    %mul3A_199 = arith.constant 512 : i32
    %mul3A_200 = arith.muli %add3A_198, %mul3A_199 : i32
    %dma_start3A_201 = arith.constant 0 : i32
    %dma_start3A_202 = tpu.memref_slice %arg4[%mul3A_200, %dma_start3A_201] : memref<524288x128xf32, #tpu.memory_space<hbm>> -> memref<512x128xf32, #tpu.memory_space<hbm>>
    %dma_start3A_203 = arith.constant 0 : i32
    %dma_start3A_204 = tpu.memref_slice %arg6[%squeeze3A_103, %dma_start3A_203] : memref<680x128xf32, #tpu.memory_space<vmem_shared>> -> memref<512x128xf32, #tpu.memory_space<vmem_shared>>
    tpu.enqueue_dma source(%dma_start3A_204 : memref<512x128xf32, #tpu.memory_space<vmem_shared>>) target(%dma_start3A_202 : memref<512x128xf32, #tpu.memory_space<hbm>>) target_semaphore(%arg9 : memref<!tpu.dma_semaphore, #tpu.memory_space<semaphore_mem>>)
    %add3A_205 = arith.constant 2 : i32
    %add3A_206 = arith.addi %mul3A_2, %add3A_205 : i32
    %mul3A_207 = arith.constant 512 : i32
    %mul3A_208 = arith.muli %add3A_206, %mul3A_207 : i32
    %dma_start3A_209 = arith.constant 0 : i32
    %dma_start3A_210 = tpu.memref_slice %arg4[%mul3A_208, %dma_start3A_209] : memref<524288x128xf32, #tpu.memory_space<hbm>> -> memref<512x128xf32, #tpu.memory_space<hbm>>
    %dma_start3A_211 = arith.constant 0 : i32
    %dma_start3A_212 = tpu.memref_slice %arg6[%squeeze3A_105, %dma_start3A_211] : memref<680x128xf32, #tpu.memory_space<vmem_shared>> -> memref<512x128xf32, #tpu.memory_space<vmem_shared>>
    tpu.enqueue_dma source(%dma_start3A_212 : memref<512x128xf32, #tpu.memory_space<vmem_shared>>) target(%dma_start3A_210 : memref<512x128xf32, #tpu.memory_space<hbm>>) target_semaphore(%arg9 : memref<!tpu.dma_semaphore, #tpu.memory_space<semaphore_mem>>)
    %add3A_213 = arith.constant 3 : i32
    %add3A_214 = arith.addi %mul3A_2, %add3A_213 : i32
    %mul3A_215 = arith.constant 512 : i32
    %mul3A_216 = arith.muli %add3A_214, %mul3A_215 : i32
    %dma_start3A_217 = arith.constant 0 : i32
    %dma_start3A_218 = tpu.memref_slice %arg4[%mul3A_216, %dma_start3A_217] : memref<524288x128xf32, #tpu.memory_space<hbm>> -> memref<512x128xf32, #tpu.memory_space<hbm>>
    %dma_start3A_219 = arith.constant 0 : i32
    %dma_start3A_220 = tpu.memref_slice %arg6[%squeeze3A_107, %dma_start3A_219] : memref<680x128xf32, #tpu.memory_space<vmem_shared>> -> memref<512x128xf32, #tpu.memory_space<vmem_shared>>
    tpu.enqueue_dma source(%dma_start3A_220 : memref<512x128xf32, #tpu.memory_space<vmem_shared>>) target(%dma_start3A_218 : memref<512x128xf32, #tpu.memory_space<hbm>>) target_semaphore(%arg9 : memref<!tpu.dma_semaphore, #tpu.memory_space<semaphore_mem>>)
    %add3A_221 = arith.constant 4 : i32
    %add3A_222 = arith.addi %mul3A_2, %add3A_221 : i32
    %mul3A_223 = arith.constant 512 : i32
    %mul3A_224 = arith.muli %add3A_222, %mul3A_223 : i32
    %dma_start3A_225 = arith.constant 0 : i32
    %dma_start3A_226 = tpu.memref_slice %arg4[%mul3A_224, %dma_start3A_225] : memref<524288x128xf32, #tpu.memory_space<hbm>> -> memref<512x128xf32, #tpu.memory_space<hbm>>
    %dma_start3A_227 = arith.constant 0 : i32
    %dma_start3A_228 = tpu.memref_slice %arg6[%squeeze3A_109, %dma_start3A_227] : memref<680x128xf32, #tpu.memory_space<vmem_shared>> -> memref<512x128xf32, #tpu.memory_space<vmem_shared>>
    tpu.enqueue_dma source(%dma_start3A_228 : memref<512x128xf32, #tpu.memory_space<vmem_shared>>) target(%dma_start3A_226 : memref<512x128xf32, #tpu.memory_space<hbm>>) target_semaphore(%arg9 : memref<!tpu.dma_semaphore, #tpu.memory_space<semaphore_mem>>)
    %add3A_229 = arith.constant 5 : i32
    %add3A_230 = arith.addi %mul3A_2, %add3A_229 : i32
    %mul3A_231 = arith.constant 512 : i32
    %mul3A_232 = arith.muli %add3A_230, %mul3A_231 : i32
    %dma_start3A_233 = arith.constant 0 : i32
    %dma_start3A_234 = tpu.memref_slice %arg4[%mul3A_232, %dma_start3A_233] : memref<524288x128xf32, #tpu.memory_space<hbm>> -> memref<512x128xf32, #tpu.memory_space<hbm>>
    %dma_start3A_235 = arith.constant 0 : i32
    %dma_start3A_236 = tpu.memref_slice %arg6[%squeeze3A_111, %dma_start3A_235] : memref<680x128xf32, #tpu.memory_space<vmem_shared>> -> memref<512x128xf32, #tpu.memory_space<vmem_shared>>
    tpu.enqueue_dma source(%dma_start3A_236 : memref<512x128xf32, #tpu.memory_space<vmem_shared>>) target(%dma_start3A_234 : memref<512x128xf32, #tpu.memory_space<hbm>>) target_semaphore(%arg9 : memref<!tpu.dma_semaphore, #tpu.memory_space<semaphore_mem>>)
    %add3A_237 = arith.constant 6 : i32
    %add3A_238 = arith.addi %mul3A_2, %add3A_237 : i32
    %mul3A_239 = arith.constant 512 : i32
    %mul3A_240 = arith.muli %add3A_238, %mul3A_239 : i32
    %dma_start3A_241 = arith.constant 0 : i32
    %dma_start3A_242 = tpu.memref_slice %arg4[%mul3A_240, %dma_start3A_241] : memref<524288x128xf32, #tpu.memory_space<hbm>> -> memref<512x128xf32, #tpu.memory_space<hbm>>
    %dma_start3A_243 = arith.constant 0 : i32
    %dma_start3A_244 = tpu.memref_slice %arg6[%squeeze3A_113, %dma_start3A_243] : memref<680x128xf32, #tpu.memory_space<vmem_shared>> -> memref<512x128xf32, #tpu.memory_space<vmem_shared>>
    tpu.enqueue_dma source(%dma_start3A_244 : memref<512x128xf32, #tpu.memory_space<vmem_shared>>) target(%dma_start3A_242 : memref<512x128xf32, #tpu.memory_space<hbm>>) target_semaphore(%arg9 : memref<!tpu.dma_semaphore, #tpu.memory_space<semaphore_mem>>)
    %add3A_245 = arith.constant 7 : i32
    %add3A_246 = arith.addi %mul3A_2, %add3A_245 : i32
    %mul3A_247 = arith.constant 512 : i32
    %mul3A_248 = arith.muli %add3A_246, %mul3A_247 : i32
    %dma_start3A_249 = arith.constant 0 : i32
    %dma_start3A_250 = tpu.memref_slice %arg4[%mul3A_248, %dma_start3A_249] : memref<524288x128xf32, #tpu.memory_space<hbm>> -> memref<512x128xf32, #tpu.memory_space<hbm>>
    %dma_start3A_251 = arith.constant 0 : i32
    %dma_start3A_252 = tpu.memref_slice %arg6[%squeeze3A_115, %dma_start3A_251] : memref<680x128xf32, #tpu.memory_space<vmem_shared>> -> memref<512x128xf32, #tpu.memory_space<vmem_shared>>
    tpu.enqueue_dma source(%dma_start3A_252 : memref<512x128xf32, #tpu.memory_space<vmem_shared>>) target(%dma_start3A_250 : memref<512x128xf32, #tpu.memory_space<hbm>>) target_semaphore(%arg9 : memref<!tpu.dma_semaphore, #tpu.memory_space<semaphore_mem>>)
    %add3A_253 = arith.constant 8 : i32
    %add3A_254 = arith.addi %mul3A_2, %add3A_253 : i32
    %mul3A_255 = arith.constant 512 : i32
    %mul3A_256 = arith.muli %add3A_254, %mul3A_255 : i32
    %dma_start3A_257 = arith.constant 0 : i32
    %dma_start3A_258 = tpu.memref_slice %arg4[%mul3A_256, %dma_start3A_257] : memref<524288x128xf32, #tpu.memory_space<hbm>> -> memref<512x128xf32, #tpu.memory_space<hbm>>
    %dma_start3A_259 = arith.constant 0 : i32
    %dma_start3A_260 = tpu.memref_slice %arg6[%squeeze3A_117, %dma_start3A_259] : memref<680x128xf32, #tpu.memory_space<vmem_shared>> -> memref<512x128xf32, #tpu.memory_space<vmem_shared>>
    tpu.enqueue_dma source(%dma_start3A_260 : memref<512x128xf32, #tpu.memory_space<vmem_shared>>) target(%dma_start3A_258 : memref<512x128xf32, #tpu.memory_space<hbm>>) target_semaphore(%arg9 : memref<!tpu.dma_semaphore, #tpu.memory_space<semaphore_mem>>)
    %add3A_261 = arith.constant 9 : i32
    %add3A_262 = arith.addi %mul3A_2, %add3A_261 : i32
    %mul3A_263 = arith.constant 512 : i32
    %mul3A_264 = arith.muli %add3A_262, %mul3A_263 : i32
    %dma_start3A_265 = arith.constant 0 : i32
    %dma_start3A_266 = tpu.memref_slice %arg4[%mul3A_264, %dma_start3A_265] : memref<524288x128xf32, #tpu.memory_space<hbm>> -> memref<512x128xf32, #tpu.memory_space<hbm>>
    %dma_start3A_267 = arith.constant 0 : i32
    %dma_start3A_268 = tpu.memref_slice %arg6[%squeeze3A_119, %dma_start3A_267] : memref<680x128xf32, #tpu.memory_space<vmem_shared>> -> memref<512x128xf32, #tpu.memory_space<vmem_shared>>
    tpu.enqueue_dma source(%dma_start3A_268 : memref<512x128xf32, #tpu.memory_space<vmem_shared>>) target(%dma_start3A_266 : memref<512x128xf32, #tpu.memory_space<hbm>>) target_semaphore(%arg9 : memref<!tpu.dma_semaphore, #tpu.memory_space<semaphore_mem>>)
    %add3A_269 = arith.constant 10 : i32
    %add3A_270 = arith.addi %mul3A_2, %add3A_269 : i32
    %mul3A_271 = arith.constant 512 : i32
    %mul3A_272 = arith.muli %add3A_270, %mul3A_271 : i32
    %dma_start3A_273 = arith.constant 0 : i32
    %dma_start3A_274 = tpu.memref_slice %arg4[%mul3A_272, %dma_start3A_273] : memref<524288x128xf32, #tpu.memory_space<hbm>> -> memref<512x128xf32, #tpu.memory_space<hbm>>
    %dma_start3A_275 = arith.constant 0 : i32
    %dma_start3A_276 = tpu.memref_slice %arg6[%squeeze3A_121, %dma_start3A_275] : memref<680x128xf32, #tpu.memory_space<vmem_shared>> -> memref<512x128xf32, #tpu.memory_space<vmem_shared>>
    tpu.enqueue_dma source(%dma_start3A_276 : memref<512x128xf32, #tpu.memory_space<vmem_shared>>) target(%dma_start3A_274 : memref<512x128xf32, #tpu.memory_space<hbm>>) target_semaphore(%arg9 : memref<!tpu.dma_semaphore, #tpu.memory_space<semaphore_mem>>)
    %add3A_277 = arith.constant 11 : i32
    %add3A_278 = arith.addi %mul3A_2, %add3A_277 : i32
    %mul3A_279 = arith.constant 512 : i32
    %mul3A_280 = arith.muli %add3A_278, %mul3A_279 : i32
    %dma_start3A_281 = arith.constant 0 : i32
    %dma_start3A_282 = tpu.memref_slice %arg4[%mul3A_280, %dma_start3A_281] : memref<524288x128xf32, #tpu.memory_space<hbm>> -> memref<512x128xf32, #tpu.memory_space<hbm>>
    %dma_start3A_283 = arith.constant 0 : i32
    %dma_start3A_284 = tpu.memref_slice %arg6[%squeeze3A_123, %dma_start3A_283] : memref<680x128xf32, #tpu.memory_space<vmem_shared>> -> memref<512x128xf32, #tpu.memory_space<vmem_shared>>
    tpu.enqueue_dma source(%dma_start3A_284 : memref<512x128xf32, #tpu.memory_space<vmem_shared>>) target(%dma_start3A_282 : memref<512x128xf32, #tpu.memory_space<hbm>>) target_semaphore(%arg9 : memref<!tpu.dma_semaphore, #tpu.memory_space<semaphore_mem>>)
    %add3A_285 = arith.constant 12 : i32
    %add3A_286 = arith.addi %mul3A_2, %add3A_285 : i32
    %mul3A_287 = arith.constant 512 : i32
    %mul3A_288 = arith.muli %add3A_286, %mul3A_287 : i32
    %dma_start3A_289 = arith.constant 0 : i32
    %dma_start3A_290 = tpu.memref_slice %arg4[%mul3A_288, %dma_start3A_289] : memref<524288x128xf32, #tpu.memory_space<hbm>> -> memref<512x128xf32, #tpu.memory_space<hbm>>
    %dma_start3A_291 = arith.constant 0 : i32
    %dma_start3A_292 = tpu.memref_slice %arg6[%squeeze3A_125, %dma_start3A_291] : memref<680x128xf32, #tpu.memory_space<vmem_shared>> -> memref<512x128xf32, #tpu.memory_space<vmem_shared>>
    tpu.enqueue_dma source(%dma_start3A_292 : memref<512x128xf32, #tpu.memory_space<vmem_shared>>) target(%dma_start3A_290 : memref<512x128xf32, #tpu.memory_space<hbm>>) target_semaphore(%arg9 : memref<!tpu.dma_semaphore, #tpu.memory_space<semaphore_mem>>)
    %add3A_293 = arith.constant 13 : i32
    %add3A_294 = arith.addi %mul3A_2, %add3A_293 : i32
    %mul3A_295 = arith.constant 512 : i32
    %mul3A_296 = arith.muli %add3A_294, %mul3A_295 : i32
    %dma_start3A_297 = arith.constant 0 : i32
    %dma_start3A_298 = tpu.memref_slice %arg4[%mul3A_296, %dma_start3A_297] : memref<524288x128xf32, #tpu.memory_space<hbm>> -> memref<512x128xf32, #tpu.memory_space<hbm>>
    %dma_start3A_299 = arith.constant 0 : i32
    %dma_start3A_300 = tpu.memref_slice %arg6[%squeeze3A_127, %dma_start3A_299] : memref<680x128xf32, #tpu.memory_space<vmem_shared>> -> memref<512x128xf32, #tpu.memory_space<vmem_shared>>
    tpu.enqueue_dma source(%dma_start3A_300 : memref<512x128xf32, #tpu.memory_space<vmem_shared>>) target(%dma_start3A_298 : memref<512x128xf32, #tpu.memory_space<hbm>>) target_semaphore(%arg9 : memref<!tpu.dma_semaphore, #tpu.memory_space<semaphore_mem>>)
    %add3A_301 = arith.constant 14 : i32
    %add3A_302 = arith.addi %mul3A_2, %add3A_301 : i32
    %mul3A_303 = arith.constant 512 : i32
    %mul3A_304 = arith.muli %add3A_302, %mul3A_303 : i32
    %dma_start3A_305 = arith.constant 0 : i32
    %dma_start3A_306 = tpu.memref_slice %arg5[%squeeze3A_129, %dma_start3A_305] : memref<680x128xf32, #tpu.memory_space<vmem>> -> memref<512x128xf32, #tpu.memory_space<vmem>>
    %dma_start3A_307 = arith.constant 0 : i32
    %dma_start3A_308 = tpu.memref_slice %arg4[%mul3A_304, %dma_start3A_307] : memref<524288x128xf32, #tpu.memory_space<hbm>> -> memref<512x128xf32, #tpu.memory_space<hbm>>
    %dma_start3A_309 = arith.constant 0 : i32
    %dma_start3A_310 = tpu.memref_slice %arg4[%mul3A_304, %dma_start3A_309] : memref<524288x128xf32, #tpu.memory_space<hbm>> -> memref<512x128xf32, #tpu.memory_space<hbm>>
    %dma_start3A_311 = arith.constant 0 : i32
    %dma_start3A_312 = tpu.memref_slice %arg5[%squeeze3A_129, %dma_start3A_311] : memref<680x128xf32, #tpu.memory_space<vmem>> -> memref<512x128xf32, #tpu.memory_space<vmem>>
    tpu.enqueue_dma source(%dma_start3A_312 : memref<512x128xf32, #tpu.memory_space<vmem>>) target(%dma_start3A_310 : memref<512x128xf32, #tpu.memory_space<hbm>>) target_semaphore(%arg8 : memref<!tpu.dma_semaphore, #tpu.memory_space<semaphore_mem>>)
    %add3A_313 = arith.constant 15 : i32
    %add3A_314 = arith.addi %mul3A_2, %add3A_313 : i32
    %mul3A_315 = arith.constant 512 : i32
    %mul3A_316 = arith.muli %add3A_314, %mul3A_315 : i32
    %dma_start3A_317 = arith.constant 0 : i32
    %dma_start3A_318 = tpu.memref_slice %arg5[%squeeze3A_131, %dma_start3A_317] : memref<680x128xf32, #tpu.memory_space<vmem>> -> memref<512x128xf32, #tpu.memory_space<vmem>>
    %dma_start3A_319 = arith.constant 0 : i32
    %dma_start3A_320 = tpu.memref_slice %arg4[%mul3A_316, %dma_start3A_319] : memref<524288x128xf32, #tpu.memory_space<hbm>> -> memref<512x128xf32, #tpu.memory_space<hbm>>
    %dma_start3A_321 = arith.constant 0 : i32
    %dma_start3A_322 = tpu.memref_slice %arg4[%mul3A_316, %dma_start3A_321] : memref<524288x128xf32, #tpu.memory_space<hbm>> -> memref<512x128xf32, #tpu.memory_space<hbm>>
    %dma_start3A_323 = arith.constant 0 : i32
    %dma_start3A_324 = tpu.memref_slice %arg5[%squeeze3A_131, %dma_start3A_323] : memref<680x128xf32, #tpu.memory_space<vmem>> -> memref<512x128xf32, #tpu.memory_space<vmem>>
    tpu.enqueue_dma source(%dma_start3A_324 : memref<512x128xf32, #tpu.memory_space<vmem>>) target(%dma_start3A_322 : memref<512x128xf32, #tpu.memory_space<hbm>>) target_semaphore(%arg8 : memref<!tpu.dma_semaphore, #tpu.memory_space<semaphore_mem>>)
    %add3A_325 = arith.constant 16 : i32
    %add3A_326 = arith.addi %mul3A_2, %add3A_325 : i32
    %mul3A_327 = arith.constant 512 : i32
    %mul3A_328 = arith.muli %add3A_326, %mul3A_327 : i32
    %dma_start3A_329 = arith.constant 0 : i32
    %dma_start3A_330 = tpu.memref_slice %arg5[%squeeze3A_158, %dma_start3A_329] : memref<680x128xf32, #tpu.memory_space<vmem>> -> memref<512x128xf32, #tpu.memory_space<vmem>>
    %dma_start3A_331 = arith.constant 0 : i32
    %dma_start3A_332 = tpu.memref_slice %arg4[%mul3A_328, %dma_start3A_331] : memref<524288x128xf32, #tpu.memory_space<hbm>> -> memref<512x128xf32, #tpu.memory_space<hbm>>
    %dma_start3A_333 = arith.constant 0 : i32
    %dma_start3A_334 = tpu.memref_slice %arg4[%mul3A_328, %dma_start3A_333] : memref<524288x128xf32, #tpu.memory_space<hbm>> -> memref<512x128xf32, #tpu.memory_space<hbm>>
    %dma_start3A_335 = arith.constant 0 : i32
    %dma_start3A_336 = tpu.memref_slice %arg5[%squeeze3A_158, %dma_start3A_335] : memref<680x128xf32, #tpu.memory_space<vmem>> -> memref<512x128xf32, #tpu.memory_space<vmem>>
    tpu.enqueue_dma source(%dma_start3A_336 : memref<512x128xf32, #tpu.memory_space<vmem>>) target(%dma_start3A_334 : memref<512x128xf32, #tpu.memory_space<hbm>>) target_semaphore(%arg8 : memref<!tpu.dma_semaphore, #tpu.memory_space<semaphore_mem>>)
    %add3A_337 = arith.constant 17 : i32
    %add3A_338 = arith.addi %mul3A_2, %add3A_337 : i32
    %mul3A_339 = arith.constant 512 : i32
    %mul3A_340 = arith.muli %add3A_338, %mul3A_339 : i32
    %dma_start3A_341 = arith.constant 0 : i32
    %dma_start3A_342 = tpu.memref_slice %arg5[%squeeze3A_160, %dma_start3A_341] : memref<680x128xf32, #tpu.memory_space<vmem>> -> memref<512x128xf32, #tpu.memory_space<vmem>>
    %dma_start3A_343 = arith.constant 0 : i32
    %dma_start3A_344 = tpu.memref_slice %arg4[%mul3A_340, %dma_start3A_343] : memref<524288x128xf32, #tpu.memory_space<hbm>> -> memref<512x128xf32, #tpu.memory_space<hbm>>
    %dma_start3A_345 = arith.constant 0 : i32
    %dma_start3A_346 = tpu.memref_slice %arg4[%mul3A_340, %dma_start3A_345] : memref<524288x128xf32, #tpu.memory_space<hbm>> -> memref<512x128xf32, #tpu.memory_space<hbm>>
    %dma_start3A_347 = arith.constant 0 : i32
    %dma_start3A_348 = tpu.memref_slice %arg5[%squeeze3A_160, %dma_start3A_347] : memref<680x128xf32, #tpu.memory_space<vmem>> -> memref<512x128xf32, #tpu.memory_space<vmem>>
    tpu.enqueue_dma source(%dma_start3A_348 : memref<512x128xf32, #tpu.memory_space<vmem>>) target(%dma_start3A_346 : memref<512x128xf32, #tpu.memory_space<hbm>>) target_semaphore(%arg8 : memref<!tpu.dma_semaphore, #tpu.memory_space<semaphore_mem>>)
    %add3A_349 = arith.constant 18 : i32
    %add3A_350 = arith.addi %mul3A_2, %add3A_349 : i32
    %mul3A_351 = arith.constant 512 : i32
    %mul3A_352 = arith.muli %add3A_350, %mul3A_351 : i32
    %dma_start3A_353 = arith.constant 0 : i32
    %dma_start3A_354 = tpu.memref_slice %arg5[%squeeze3A_162, %dma_start3A_353] : memref<680x128xf32, #tpu.memory_space<vmem>> -> memref<512x128xf32, #tpu.memory_space<vmem>>
    %dma_start3A_355 = arith.constant 0 : i32
    %dma_start3A_356 = tpu.memref_slice %arg4[%mul3A_352, %dma_start3A_355] : memref<524288x128xf32, #tpu.memory_space<hbm>> -> memref<512x128xf32, #tpu.memory_space<hbm>>
    %dma_start3A_357 = arith.constant 0 : i32
    %dma_start3A_358 = tpu.memref_slice %arg4[%mul3A_352, %dma_start3A_357] : memref<524288x128xf32, #tpu.memory_space<hbm>> -> memref<512x128xf32, #tpu.memory_space<hbm>>
    %dma_start3A_359 = arith.constant 0 : i32
    %dma_start3A_360 = tpu.memref_slice %arg5[%squeeze3A_162, %dma_start3A_359] : memref<680x128xf32, #tpu.memory_space<vmem>> -> memref<512x128xf32, #tpu.memory_space<vmem>>
    tpu.enqueue_dma source(%dma_start3A_360 : memref<512x128xf32, #tpu.memory_space<vmem>>) target(%dma_start3A_358 : memref<512x128xf32, #tpu.memory_space<hbm>>) target_semaphore(%arg8 : memref<!tpu.dma_semaphore, #tpu.memory_space<semaphore_mem>>)
    %add3A_361 = arith.constant 19 : i32
    %add3A_362 = arith.addi %mul3A_2, %add3A_361 : i32
    %mul3A_363 = arith.constant 512 : i32
    %mul3A_364 = arith.muli %add3A_362, %mul3A_363 : i32
    %dma_start3A_365 = arith.constant 0 : i32
    %dma_start3A_366 = tpu.memref_slice %arg5[%squeeze3A_164, %dma_start3A_365] : memref<680x128xf32, #tpu.memory_space<vmem>> -> memref<512x128xf32, #tpu.memory_space<vmem>>
    %dma_start3A_367 = arith.constant 0 : i32
    %dma_start3A_368 = tpu.memref_slice %arg4[%mul3A_364, %dma_start3A_367] : memref<524288x128xf32, #tpu.memory_space<hbm>> -> memref<512x128xf32, #tpu.memory_space<hbm>>
    %dma_start3A_369 = arith.constant 0 : i32
    %dma_start3A_370 = tpu.memref_slice %arg4[%mul3A_364, %dma_start3A_369] : memref<524288x128xf32, #tpu.memory_space<hbm>> -> memref<512x128xf32, #tpu.memory_space<hbm>>
    %dma_start3A_371 = arith.constant 0 : i32
    %dma_start3A_372 = tpu.memref_slice %arg5[%squeeze3A_164, %dma_start3A_371] : memref<680x128xf32, #tpu.memory_space<vmem>> -> memref<512x128xf32, #tpu.memory_space<vmem>>
    tpu.enqueue_dma source(%dma_start3A_372 : memref<512x128xf32, #tpu.memory_space<vmem>>) target(%dma_start3A_370 : memref<512x128xf32, #tpu.memory_space<hbm>>) target_semaphore(%arg8 : memref<!tpu.dma_semaphore, #tpu.memory_space<semaphore_mem>>)
    %add3A_373 = arith.constant 20 : i32
    %add3A_374 = arith.addi %mul3A_2, %add3A_373 : i32
    %mul3A_375 = arith.constant 512 : i32
    %mul3A_376 = arith.muli %add3A_374, %mul3A_375 : i32
    %dma_start3A_377 = arith.constant 0 : i32
    %dma_start3A_378 = tpu.memref_slice %arg5[%squeeze3A_166, %dma_start3A_377] : memref<680x128xf32, #tpu.memory_space<vmem>> -> memref<512x128xf32, #tpu.memory_space<vmem>>
    %dma_start3A_379 = arith.constant 0 : i32
    %dma_start3A_380 = tpu.memref_slice %arg4[%mul3A_376, %dma_start3A_379] : memref<524288x128xf32, #tpu.memory_space<hbm>> -> memref<512x128xf32, #tpu.memory_space<hbm>>
    %dma_start3A_381 = arith.constant 0 : i32
    %dma_start3A_382 = tpu.memref_slice %arg4[%mul3A_376, %dma_start3A_381] : memref<524288x128xf32, #tpu.memory_space<hbm>> -> memref<512x128xf32, #tpu.memory_space<hbm>>
    %dma_start3A_383 = arith.constant 0 : i32
    %dma_start3A_384 = tpu.memref_slice %arg5[%squeeze3A_166, %dma_start3A_383] : memref<680x128xf32, #tpu.memory_space<vmem>> -> memref<512x128xf32, #tpu.memory_space<vmem>>
    tpu.enqueue_dma source(%dma_start3A_384 : memref<512x128xf32, #tpu.memory_space<vmem>>) target(%dma_start3A_382 : memref<512x128xf32, #tpu.memory_space<hbm>>) target_semaphore(%arg8 : memref<!tpu.dma_semaphore, #tpu.memory_space<semaphore_mem>>)
    %add3A_385 = arith.constant 21 : i32
    %add3A_386 = arith.addi %mul3A_2, %add3A_385 : i32
    %mul3A_387 = arith.constant 512 : i32
    %mul3A_388 = arith.muli %add3A_386, %mul3A_387 : i32
    %dma_start3A_389 = arith.constant 0 : i32
    %dma_start3A_390 = tpu.memref_slice %arg5[%squeeze3A_168, %dma_start3A_389] : memref<680x128xf32, #tpu.memory_space<vmem>> -> memref<512x128xf32, #tpu.memory_space<vmem>>
    %dma_start3A_391 = arith.constant 0 : i32
    %dma_start3A_392 = tpu.memref_slice %arg4[%mul3A_388, %dma_start3A_391] : memref<524288x128xf32, #tpu.memory_space<hbm>> -> memref<512x128xf32, #tpu.memory_space<hbm>>
    %dma_start3A_393 = arith.constant 0 : i32
    %dma_start3A_394 = tpu.memref_slice %arg4[%mul3A_388, %dma_start3A_393] : memref<524288x128xf32, #tpu.memory_space<hbm>> -> memref<512x128xf32, #tpu.memory_space<hbm>>
    %dma_start3A_395 = arith.constant 0 : i32
    %dma_start3A_396 = tpu.memref_slice %arg5[%squeeze3A_168, %dma_start3A_395] : memref<680x128xf32, #tpu.memory_space<vmem>> -> memref<512x128xf32, #tpu.memory_space<vmem>>
    tpu.enqueue_dma source(%dma_start3A_396 : memref<512x128xf32, #tpu.memory_space<vmem>>) target(%dma_start3A_394 : memref<512x128xf32, #tpu.memory_space<hbm>>) target_semaphore(%arg8 : memref<!tpu.dma_semaphore, #tpu.memory_space<semaphore_mem>>)
    %add3A_397 = arith.constant 22 : i32
    %add3A_398 = arith.addi %mul3A_2, %add3A_397 : i32
    %mul3A_399 = arith.constant 512 : i32
    %mul3A_400 = arith.muli %add3A_398, %mul3A_399 : i32
    %dma_start3A_401 = arith.constant 0 : i32
    %dma_start3A_402 = tpu.memref_slice %arg5[%squeeze3A_170, %dma_start3A_401] : memref<680x128xf32, #tpu.memory_space<vmem>> -> memref<512x128xf32, #tpu.memory_space<vmem>>
    %dma_start3A_403 = arith.constant 0 : i32
    %dma_start3A_404 = tpu.memref_slice %arg4[%mul3A_400, %dma_start3A_403] : memref<524288x128xf32, #tpu.memory_space<hbm>> -> memref<512x128xf32, #tpu.memory_space<hbm>>
    %dma_start3A_405 = arith.constant 0 : i32
    %dma_start3A_406 = tpu.memref_slice %arg4[%mul3A_400, %dma_start3A_405] : memref<524288x128xf32, #tpu.memory_space<hbm>> -> memref<512x128xf32, #tpu.memory_space<hbm>>
    %dma_start3A_407 = arith.constant 0 : i32
    %dma_start3A_408 = tpu.memref_slice %arg5[%squeeze3A_170, %dma_start3A_407] : memref<680x128xf32, #tpu.memory_space<vmem>> -> memref<512x128xf32, #tpu.memory_space<vmem>>
    tpu.enqueue_dma source(%dma_start3A_408 : memref<512x128xf32, #tpu.memory_space<vmem>>) target(%dma_start3A_406 : memref<512x128xf32, #tpu.memory_space<hbm>>) target_semaphore(%arg8 : memref<!tpu.dma_semaphore, #tpu.memory_space<semaphore_mem>>)
    %add3A_409 = arith.constant 23 : i32
    %add3A_410 = arith.addi %mul3A_2, %add3A_409 : i32
    %mul3A_411 = arith.constant 512 : i32
    %mul3A_412 = arith.muli %add3A_410, %mul3A_411 : i32
    %dma_start3A_413 = arith.constant 0 : i32
    %dma_start3A_414 = tpu.memref_slice %arg5[%squeeze3A_172, %dma_start3A_413] : memref<680x128xf32, #tpu.memory_space<vmem>> -> memref<512x128xf32, #tpu.memory_space<vmem>>
    %dma_start3A_415 = arith.constant 0 : i32
    %dma_start3A_416 = tpu.memref_slice %arg4[%mul3A_412, %dma_start3A_415] : memref<524288x128xf32, #tpu.memory_space<hbm>> -> memref<512x128xf32, #tpu.memory_space<hbm>>
    %dma_start3A_417 = arith.constant 0 : i32
    %dma_start3A_418 = tpu.memref_slice %arg4[%mul3A_412, %dma_start3A_417] : memref<524288x128xf32, #tpu.memory_space<hbm>> -> memref<512x128xf32, #tpu.memory_space<hbm>>
    %dma_start3A_419 = arith.constant 0 : i32
    %dma_start3A_420 = tpu.memref_slice %arg5[%squeeze3A_172, %dma_start3A_419] : memref<680x128xf32, #tpu.memory_space<vmem>> -> memref<512x128xf32, #tpu.memory_space<vmem>>
    tpu.enqueue_dma source(%dma_start3A_420 : memref<512x128xf32, #tpu.memory_space<vmem>>) target(%dma_start3A_418 : memref<512x128xf32, #tpu.memory_space<hbm>>) target_semaphore(%arg8 : memref<!tpu.dma_semaphore, #tpu.memory_space<semaphore_mem>>)
    %add3A_421 = arith.constant 24 : i32
    %add3A_422 = arith.addi %mul3A_2, %add3A_421 : i32
    %mul3A_423 = arith.constant 512 : i32
    %mul3A_424 = arith.muli %add3A_422, %mul3A_423 : i32
    %dma_start3A_425 = arith.constant 0 : i32
    %dma_start3A_426 = tpu.memref_slice %arg5[%squeeze3A_174, %dma_start3A_425] : memref<680x128xf32, #tpu.memory_space<vmem>> -> memref<512x128xf32, #tpu.memory_space<vmem>>
    %dma_start3A_427 = arith.constant 0 : i32
    %dma_start3A_428 = tpu.memref_slice %arg4[%mul3A_424, %dma_start3A_427] : memref<524288x128xf32, #tpu.memory_space<hbm>> -> memref<512x128xf32, #tpu.memory_space<hbm>>
    %dma_start3A_429 = arith.constant 0 : i32
    %dma_start3A_430 = tpu.memref_slice %arg4[%mul3A_424, %dma_start3A_429] : memref<524288x128xf32, #tpu.memory_space<hbm>> -> memref<512x128xf32, #tpu.memory_space<hbm>>
    %dma_start3A_431 = arith.constant 0 : i32
    %dma_start3A_432 = tpu.memref_slice %arg5[%squeeze3A_174, %dma_start3A_431] : memref<680x128xf32, #tpu.memory_space<vmem>> -> memref<512x128xf32, #tpu.memory_space<vmem>>
    tpu.enqueue_dma source(%dma_start3A_432 : memref<512x128xf32, #tpu.memory_space<vmem>>) target(%dma_start3A_430 : memref<512x128xf32, #tpu.memory_space<hbm>>) target_semaphore(%arg8 : memref<!tpu.dma_semaphore, #tpu.memory_space<semaphore_mem>>)
    %add3A_433 = arith.constant 25 : i32
    %add3A_434 = arith.addi %mul3A_2, %add3A_433 : i32
    %mul3A_435 = arith.constant 512 : i32
    %mul3A_436 = arith.muli %add3A_434, %mul3A_435 : i32
    %dma_start3A_437 = arith.constant 0 : i32
    %dma_start3A_438 = tpu.memref_slice %arg5[%squeeze3A_176, %dma_start3A_437] : memref<680x128xf32, #tpu.memory_space<vmem>> -> memref<512x128xf32, #tpu.memory_space<vmem>>
    %dma_start3A_439 = arith.constant 0 : i32
    %dma_start3A_440 = tpu.memref_slice %arg4[%mul3A_436, %dma_start3A_439] : memref<524288x128xf32, #tpu.memory_space<hbm>> -> memref<512x128xf32, #tpu.memory_space<hbm>>
    %dma_start3A_441 = arith.constant 0 : i32
    %dma_start3A_442 = tpu.memref_slice %arg4[%mul3A_436, %dma_start3A_441] : memref<524288x128xf32, #tpu.memory_space<hbm>> -> memref<512x128xf32, #tpu.memory_space<hbm>>
    %dma_start3A_443 = arith.constant 0 : i32
    %dma_start3A_444 = tpu.memref_slice %arg5[%squeeze3A_176, %dma_start3A_443] : memref<680x128xf32, #tpu.memory_space<vmem>> -> memref<512x128xf32, #tpu.memory_space<vmem>>
    tpu.enqueue_dma source(%dma_start3A_444 : memref<512x128xf32, #tpu.memory_space<vmem>>) target(%dma_start3A_442 : memref<512x128xf32, #tpu.memory_space<hbm>>) target_semaphore(%arg8 : memref<!tpu.dma_semaphore, #tpu.memory_space<semaphore_mem>>)
    %add3A_445 = arith.constant 26 : i32
    %add3A_446 = arith.addi %mul3A_2, %add3A_445 : i32
    %mul3A_447 = arith.constant 512 : i32
    %mul3A_448 = arith.muli %add3A_446, %mul3A_447 : i32
    %dma_start3A_449 = arith.constant 0 : i32
    %dma_start3A_450 = tpu.memref_slice %arg5[%squeeze3A_178, %dma_start3A_449] : memref<680x128xf32, #tpu.memory_space<vmem>> -> memref<512x128xf32, #tpu.memory_space<vmem>>
    %dma_start3A_451 = arith.constant 0 : i32
    %dma_start3A_452 = tpu.memref_slice %arg4[%mul3A_448, %dma_start3A_451] : memref<524288x128xf32, #tpu.memory_space<hbm>> -> memref<512x128xf32, #tpu.memory_space<hbm>>
    %dma_start3A_453 = arith.constant 0 : i32
    %dma_start3A_454 = tpu.memref_slice %arg4[%mul3A_448, %dma_start3A_453] : memref<524288x128xf32, #tpu.memory_space<hbm>> -> memref<512x128xf32, #tpu.memory_space<hbm>>
    %dma_start3A_455 = arith.constant 0 : i32
    %dma_start3A_456 = tpu.memref_slice %arg5[%squeeze3A_178, %dma_start3A_455] : memref<680x128xf32, #tpu.memory_space<vmem>> -> memref<512x128xf32, #tpu.memory_space<vmem>>
    tpu.enqueue_dma source(%dma_start3A_456 : memref<512x128xf32, #tpu.memory_space<vmem>>) target(%dma_start3A_454 : memref<512x128xf32, #tpu.memory_space<hbm>>) target_semaphore(%arg8 : memref<!tpu.dma_semaphore, #tpu.memory_space<semaphore_mem>>)
    %add3A_457 = arith.constant 27 : i32
    %add3A_458 = arith.addi %mul3A_2, %add3A_457 : i32
    %mul3A_459 = arith.constant 512 : i32
    %mul3A_460 = arith.muli %add3A_458, %mul3A_459 : i32
    %dma_start3A_461 = arith.constant 0 : i32
    %dma_start3A_462 = tpu.memref_slice %arg5[%squeeze3A_180, %dma_start3A_461] : memref<680x128xf32, #tpu.memory_space<vmem>> -> memref<512x128xf32, #tpu.memory_space<vmem>>
    %dma_start3A_463 = arith.constant 0 : i32
    %dma_start3A_464 = tpu.memref_slice %arg4[%mul3A_460, %dma_start3A_463] : memref<524288x128xf32, #tpu.memory_space<hbm>> -> memref<512x128xf32, #tpu.memory_space<hbm>>
    %dma_start3A_465 = arith.constant 0 : i32
    %dma_start3A_466 = tpu.memref_slice %arg4[%mul3A_460, %dma_start3A_465] : memref<524288x128xf32, #tpu.memory_space<hbm>> -> memref<512x128xf32, #tpu.memory_space<hbm>>
    %dma_start3A_467 = arith.constant 0 : i32
    %dma_start3A_468 = tpu.memref_slice %arg5[%squeeze3A_180, %dma_start3A_467] : memref<680x128xf32, #tpu.memory_space<vmem>> -> memref<512x128xf32, #tpu.memory_space<vmem>>
    tpu.enqueue_dma source(%dma_start3A_468 : memref<512x128xf32, #tpu.memory_space<vmem>>) target(%dma_start3A_466 : memref<512x128xf32, #tpu.memory_space<hbm>>) target_semaphore(%arg8 : memref<!tpu.dma_semaphore, #tpu.memory_space<semaphore_mem>>)
    %add3A_469 = arith.constant 28 : i32
    %add3A_470 = arith.addi %mul3A_2, %add3A_469 : i32
    %mul3A_471 = arith.constant 512 : i32
    %mul3A_472 = arith.muli %add3A_470, %mul3A_471 : i32
    %dma_start3A_473 = arith.constant 0 : i32
    %dma_start3A_474 = tpu.memref_slice %arg5[%squeeze3A_182, %dma_start3A_473] : memref<680x128xf32, #tpu.memory_space<vmem>> -> memref<512x128xf32, #tpu.memory_space<vmem>>
    %dma_start3A_475 = arith.constant 0 : i32
    %dma_start3A_476 = tpu.memref_slice %arg4[%mul3A_472, %dma_start3A_475] : memref<524288x128xf32, #tpu.memory_space<hbm>> -> memref<512x128xf32, #tpu.memory_space<hbm>>
    %dma_start3A_477 = arith.constant 0 : i32
    %dma_start3A_478 = tpu.memref_slice %arg4[%mul3A_472, %dma_start3A_477] : memref<524288x128xf32, #tpu.memory_space<hbm>> -> memref<512x128xf32, #tpu.memory_space<hbm>>
    %dma_start3A_479 = arith.constant 0 : i32
    %dma_start3A_480 = tpu.memref_slice %arg5[%squeeze3A_182, %dma_start3A_479] : memref<680x128xf32, #tpu.memory_space<vmem>> -> memref<512x128xf32, #tpu.memory_space<vmem>>
    tpu.enqueue_dma source(%dma_start3A_480 : memref<512x128xf32, #tpu.memory_space<vmem>>) target(%dma_start3A_478 : memref<512x128xf32, #tpu.memory_space<hbm>>) target_semaphore(%arg8 : memref<!tpu.dma_semaphore, #tpu.memory_space<semaphore_mem>>)
    %add3A_481 = arith.constant 29 : i32
    %add3A_482 = arith.addi %mul3A_2, %add3A_481 : i32
    %mul3A_483 = arith.constant 512 : i32
    %mul3A_484 = arith.muli %add3A_482, %mul3A_483 : i32
    %dma_start3A_485 = arith.constant 0 : i32
    %dma_start3A_486 = tpu.memref_slice %arg5[%squeeze3A_184, %dma_start3A_485] : memref<680x128xf32, #tpu.memory_space<vmem>> -> memref<512x128xf32, #tpu.memory_space<vmem>>
    %dma_start3A_487 = arith.constant 0 : i32
    %dma_start3A_488 = tpu.memref_slice %arg4[%mul3A_484, %dma_start3A_487] : memref<524288x128xf32, #tpu.memory_space<hbm>> -> memref<512x128xf32, #tpu.memory_space<hbm>>
    %dma_start3A_489 = arith.constant 0 : i32
    %dma_start3A_490 = tpu.memref_slice %arg4[%mul3A_484, %dma_start3A_489] : memref<524288x128xf32, #tpu.memory_space<hbm>> -> memref<512x128xf32, #tpu.memory_space<hbm>>
    %dma_start3A_491 = arith.constant 0 : i32
    %dma_start3A_492 = tpu.memref_slice %arg5[%squeeze3A_184, %dma_start3A_491] : memref<680x128xf32, #tpu.memory_space<vmem>> -> memref<512x128xf32, #tpu.memory_space<vmem>>
    tpu.enqueue_dma source(%dma_start3A_492 : memref<512x128xf32, #tpu.memory_space<vmem>>) target(%dma_start3A_490 : memref<512x128xf32, #tpu.memory_space<hbm>>) target_semaphore(%arg8 : memref<!tpu.dma_semaphore, #tpu.memory_space<semaphore_mem>>)
    %add3A_493 = arith.constant 30 : i32
    %add3A_494 = arith.addi %mul3A_2, %add3A_493 : i32
    %mul3A_495 = arith.constant 512 : i32
    %mul3A_496 = arith.muli %add3A_494, %mul3A_495 : i32
    %dma_start3A_497 = arith.constant 0 : i32
    %dma_start3A_498 = tpu.memref_slice %arg5[%squeeze3A_186, %dma_start3A_497] : memref<680x128xf32, #tpu.memory_space<vmem>> -> memref<512x128xf32, #tpu.memory_space<vmem>>
    %dma_start3A_499 = arith.constant 0 : i32
    %dma_start3A_500 = tpu.memref_slice %arg4[%mul3A_496, %dma_start3A_499] : memref<524288x128xf32, #tpu.memory_space<hbm>> -> memref<512x128xf32, #tpu.memory_space<hbm>>
    %dma_start3A_501 = arith.constant 0 : i32
    %dma_start3A_502 = tpu.memref_slice %arg4[%mul3A_496, %dma_start3A_501] : memref<524288x128xf32, #tpu.memory_space<hbm>> -> memref<512x128xf32, #tpu.memory_space<hbm>>
    %dma_start3A_503 = arith.constant 0 : i32
    %dma_start3A_504 = tpu.memref_slice %arg5[%squeeze3A_186, %dma_start3A_503] : memref<680x128xf32, #tpu.memory_space<vmem>> -> memref<512x128xf32, #tpu.memory_space<vmem>>
    tpu.enqueue_dma source(%dma_start3A_504 : memref<512x128xf32, #tpu.memory_space<vmem>>) target(%dma_start3A_502 : memref<512x128xf32, #tpu.memory_space<hbm>>) target_semaphore(%arg8 : memref<!tpu.dma_semaphore, #tpu.memory_space<semaphore_mem>>)
    %add3A_505 = arith.constant 31 : i32
    %add3A_506 = arith.addi %mul3A_2, %add3A_505 : i32
    %mul3A_507 = arith.constant 512 : i32
    %mul3A_508 = arith.muli %add3A_506, %mul3A_507 : i32
    %dma_start3A_509 = arith.constant 0 : i32
    %dma_start3A_510 = tpu.memref_slice %arg5[%squeeze3A_188, %dma_start3A_509] : memref<680x128xf32, #tpu.memory_space<vmem>> -> memref<512x128xf32, #tpu.memory_space<vmem>>
    %dma_start3A_511 = arith.constant 0 : i32
    %dma_start3A_512 = tpu.memref_slice %arg4[%mul3A_508, %dma_start3A_511] : memref<524288x128xf32, #tpu.memory_space<hbm>> -> memref<512x128xf32, #tpu.memory_space<hbm>>
    %dma_start3A_513 = arith.constant 0 : i32
    %dma_start3A_514 = tpu.memref_slice %arg4[%mul3A_508, %dma_start3A_513] : memref<524288x128xf32, #tpu.memory_space<hbm>> -> memref<512x128xf32, #tpu.memory_space<hbm>>
    %dma_start3A_515 = arith.constant 0 : i32
    %dma_start3A_516 = tpu.memref_slice %arg5[%squeeze3A_188, %dma_start3A_515] : memref<680x128xf32, #tpu.memory_space<vmem>> -> memref<512x128xf32, #tpu.memory_space<vmem>>
    tpu.enqueue_dma source(%dma_start3A_516 : memref<512x128xf32, #tpu.memory_space<vmem>>) target(%dma_start3A_514 : memref<512x128xf32, #tpu.memory_space<hbm>>) target_semaphore(%arg8 : memref<!tpu.dma_semaphore, #tpu.memory_space<semaphore_mem>>)
    %dma_wait3A_517 = arith.constant 0 : i32
    %dma_wait3A_518 = tpu.memref_slice %arg4[%mul3A_192, %dma_wait3A_517] : memref<524288x128xf32, #tpu.memory_space<hbm>> -> memref<512x128xf32, #tpu.memory_space<hbm>>
    %dma_wait3A_519 = arith.constant 0 : i32
    %dma_wait3A_520 = tpu.memref_slice %arg6[%squeeze3A, %dma_wait3A_519] : memref<680x128xf32, #tpu.memory_space<vmem_shared>> -> memref<512x128xf32, #tpu.memory_space<vmem_shared>>
    tpu.wait_dma2 semaphore(%arg9 : memref<!tpu.dma_semaphore, #tpu.memory_space<semaphore_mem>>) src(%dma_wait3A_520 : memref<512x128xf32, #tpu.memory_space<vmem_shared>>) dst(%dma_wait3A_518 : memref<512x128xf32, #tpu.memory_space<hbm>>)
    %dma_wait3A_521 = arith.constant 0 : i32
    %dma_wait3A_522 = tpu.memref_slice %arg4[%mul3A_200, %dma_wait3A_521] : memref<524288x128xf32, #tpu.memory_space<hbm>> -> memref<512x128xf32, #tpu.memory_space<hbm>>
    %dma_wait3A_523 = arith.constant 0 : i32
    %dma_wait3A_524 = tpu.memref_slice %arg6[%squeeze3A_103, %dma_wait3A_523] : memref<680x128xf32, #tpu.memory_space<vmem_shared>> -> memref<512x128xf32, #tpu.memory_space<vmem_shared>>
    tpu.wait_dma2 semaphore(%arg9 : memref<!tpu.dma_semaphore, #tpu.memory_space<semaphore_mem>>) src(%dma_wait3A_524 : memref<512x128xf32, #tpu.memory_space<vmem_shared>>) dst(%dma_wait3A_522 : memref<512x128xf32, #tpu.memory_space<hbm>>)
    %dma_wait3A_525 = arith.constant 0 : i32
    %dma_wait3A_526 = tpu.memref_slice %arg4[%mul3A_208, %dma_wait3A_525] : memref<524288x128xf32, #tpu.memory_space<hbm>> -> memref<512x128xf32, #tpu.memory_space<hbm>>
    %dma_wait3A_527 = arith.constant 0 : i32
    %dma_wait3A_528 = tpu.memref_slice %arg6[%squeeze3A_105, %dma_wait3A_527] : memref<680x128xf32, #tpu.memory_space<vmem_shared>> -> memref<512x128xf32, #tpu.memory_space<vmem_shared>>
    tpu.wait_dma2 semaphore(%arg9 : memref<!tpu.dma_semaphore, #tpu.memory_space<semaphore_mem>>) src(%dma_wait3A_528 : memref<512x128xf32, #tpu.memory_space<vmem_shared>>) dst(%dma_wait3A_526 : memref<512x128xf32, #tpu.memory_space<hbm>>)
    %dma_wait3A_529 = arith.constant 0 : i32
    %dma_wait3A_530 = tpu.memref_slice %arg4[%mul3A_216, %dma_wait3A_529] : memref<524288x128xf32, #tpu.memory_space<hbm>> -> memref<512x128xf32, #tpu.memory_space<hbm>>
    %dma_wait3A_531 = arith.constant 0 : i32
    %dma_wait3A_532 = tpu.memref_slice %arg6[%squeeze3A_107, %dma_wait3A_531] : memref<680x128xf32, #tpu.memory_space<vmem_shared>> -> memref<512x128xf32, #tpu.memory_space<vmem_shared>>
    tpu.wait_dma2 semaphore(%arg9 : memref<!tpu.dma_semaphore, #tpu.memory_space<semaphore_mem>>) src(%dma_wait3A_532 : memref<512x128xf32, #tpu.memory_space<vmem_shared>>) dst(%dma_wait3A_530 : memref<512x128xf32, #tpu.memory_space<hbm>>)
    %dma_wait3A_533 = arith.constant 0 : i32
    %dma_wait3A_534 = tpu.memref_slice %arg4[%mul3A_224, %dma_wait3A_533] : memref<524288x128xf32, #tpu.memory_space<hbm>> -> memref<512x128xf32, #tpu.memory_space<hbm>>
    %dma_wait3A_535 = arith.constant 0 : i32
    %dma_wait3A_536 = tpu.memref_slice %arg6[%squeeze3A_109, %dma_wait3A_535] : memref<680x128xf32, #tpu.memory_space<vmem_shared>> -> memref<512x128xf32, #tpu.memory_space<vmem_shared>>
    tpu.wait_dma2 semaphore(%arg9 : memref<!tpu.dma_semaphore, #tpu.memory_space<semaphore_mem>>) src(%dma_wait3A_536 : memref<512x128xf32, #tpu.memory_space<vmem_shared>>) dst(%dma_wait3A_534 : memref<512x128xf32, #tpu.memory_space<hbm>>)
    %dma_wait3A_537 = arith.constant 0 : i32
    %dma_wait3A_538 = tpu.memref_slice %arg4[%mul3A_232, %dma_wait3A_537] : memref<524288x128xf32, #tpu.memory_space<hbm>> -> memref<512x128xf32, #tpu.memory_space<hbm>>
    %dma_wait3A_539 = arith.constant 0 : i32
    %dma_wait3A_540 = tpu.memref_slice %arg6[%squeeze3A_111, %dma_wait3A_539] : memref<680x128xf32, #tpu.memory_space<vmem_shared>> -> memref<512x128xf32, #tpu.memory_space<vmem_shared>>
    tpu.wait_dma2 semaphore(%arg9 : memref<!tpu.dma_semaphore, #tpu.memory_space<semaphore_mem>>) src(%dma_wait3A_540 : memref<512x128xf32, #tpu.memory_space<vmem_shared>>) dst(%dma_wait3A_538 : memref<512x128xf32, #tpu.memory_space<hbm>>)
    %dma_wait3A_541 = arith.constant 0 : i32
    %dma_wait3A_542 = tpu.memref_slice %arg4[%mul3A_240, %dma_wait3A_541] : memref<524288x128xf32, #tpu.memory_space<hbm>> -> memref<512x128xf32, #tpu.memory_space<hbm>>
    %dma_wait3A_543 = arith.constant 0 : i32
    %dma_wait3A_544 = tpu.memref_slice %arg6[%squeeze3A_113, %dma_wait3A_543] : memref<680x128xf32, #tpu.memory_space<vmem_shared>> -> memref<512x128xf32, #tpu.memory_space<vmem_shared>>
    tpu.wait_dma2 semaphore(%arg9 : memref<!tpu.dma_semaphore, #tpu.memory_space<semaphore_mem>>) src(%dma_wait3A_544 : memref<512x128xf32, #tpu.memory_space<vmem_shared>>) dst(%dma_wait3A_542 : memref<512x128xf32, #tpu.memory_space<hbm>>)
    %dma_wait3A_545 = arith.constant 0 : i32
    %dma_wait3A_546 = tpu.memref_slice %arg4[%mul3A_248, %dma_wait3A_545] : memref<524288x128xf32, #tpu.memory_space<hbm>> -> memref<512x128xf32, #tpu.memory_space<hbm>>
    %dma_wait3A_547 = arith.constant 0 : i32
    %dma_wait3A_548 = tpu.memref_slice %arg6[%squeeze3A_115, %dma_wait3A_547] : memref<680x128xf32, #tpu.memory_space<vmem_shared>> -> memref<512x128xf32, #tpu.memory_space<vmem_shared>>
    tpu.wait_dma2 semaphore(%arg9 : memref<!tpu.dma_semaphore, #tpu.memory_space<semaphore_mem>>) src(%dma_wait3A_548 : memref<512x128xf32, #tpu.memory_space<vmem_shared>>) dst(%dma_wait3A_546 : memref<512x128xf32, #tpu.memory_space<hbm>>)
    %dma_wait3A_549 = arith.constant 0 : i32
    %dma_wait3A_550 = tpu.memref_slice %arg4[%mul3A_256, %dma_wait3A_549] : memref<524288x128xf32, #tpu.memory_space<hbm>> -> memref<512x128xf32, #tpu.memory_space<hbm>>
    %dma_wait3A_551 = arith.constant 0 : i32
    %dma_wait3A_552 = tpu.memref_slice %arg6[%squeeze3A_117, %dma_wait3A_551] : memref<680x128xf32, #tpu.memory_space<vmem_shared>> -> memref<512x128xf32, #tpu.memory_space<vmem_shared>>
    tpu.wait_dma2 semaphore(%arg9 : memref<!tpu.dma_semaphore, #tpu.memory_space<semaphore_mem>>) src(%dma_wait3A_552 : memref<512x128xf32, #tpu.memory_space<vmem_shared>>) dst(%dma_wait3A_550 : memref<512x128xf32, #tpu.memory_space<hbm>>)
    %dma_wait3A_553 = arith.constant 0 : i32
    %dma_wait3A_554 = tpu.memref_slice %arg4[%mul3A_264, %dma_wait3A_553] : memref<524288x128xf32, #tpu.memory_space<hbm>> -> memref<512x128xf32, #tpu.memory_space<hbm>>
    %dma_wait3A_555 = arith.constant 0 : i32
    %dma_wait3A_556 = tpu.memref_slice %arg6[%squeeze3A_119, %dma_wait3A_555] : memref<680x128xf32, #tpu.memory_space<vmem_shared>> -> memref<512x128xf32, #tpu.memory_space<vmem_shared>>
    tpu.wait_dma2 semaphore(%arg9 : memref<!tpu.dma_semaphore, #tpu.memory_space<semaphore_mem>>) src(%dma_wait3A_556 : memref<512x128xf32, #tpu.memory_space<vmem_shared>>) dst(%dma_wait3A_554 : memref<512x128xf32, #tpu.memory_space<hbm>>)
    %dma_wait3A_557 = arith.constant 0 : i32
    %dma_wait3A_558 = tpu.memref_slice %arg4[%mul3A_272, %dma_wait3A_557] : memref<524288x128xf32, #tpu.memory_space<hbm>> -> memref<512x128xf32, #tpu.memory_space<hbm>>
    %dma_wait3A_559 = arith.constant 0 : i32
    %dma_wait3A_560 = tpu.memref_slice %arg6[%squeeze3A_121, %dma_wait3A_559] : memref<680x128xf32, #tpu.memory_space<vmem_shared>> -> memref<512x128xf32, #tpu.memory_space<vmem_shared>>
    tpu.wait_dma2 semaphore(%arg9 : memref<!tpu.dma_semaphore, #tpu.memory_space<semaphore_mem>>) src(%dma_wait3A_560 : memref<512x128xf32, #tpu.memory_space<vmem_shared>>) dst(%dma_wait3A_558 : memref<512x128xf32, #tpu.memory_space<hbm>>)
    %dma_wait3A_561 = arith.constant 0 : i32
    %dma_wait3A_562 = tpu.memref_slice %arg4[%mul3A_280, %dma_wait3A_561] : memref<524288x128xf32, #tpu.memory_space<hbm>> -> memref<512x128xf32, #tpu.memory_space<hbm>>
    %dma_wait3A_563 = arith.constant 0 : i32
    %dma_wait3A_564 = tpu.memref_slice %arg6[%squeeze3A_123, %dma_wait3A_563] : memref<680x128xf32, #tpu.memory_space<vmem_shared>> -> memref<512x128xf32, #tpu.memory_space<vmem_shared>>
    tpu.wait_dma2 semaphore(%arg9 : memref<!tpu.dma_semaphore, #tpu.memory_space<semaphore_mem>>) src(%dma_wait3A_564 : memref<512x128xf32, #tpu.memory_space<vmem_shared>>) dst(%dma_wait3A_562 : memref<512x128xf32, #tpu.memory_space<hbm>>)
    %dma_wait3A_565 = arith.constant 0 : i32
    %dma_wait3A_566 = tpu.memref_slice %arg4[%mul3A_288, %dma_wait3A_565] : memref<524288x128xf32, #tpu.memory_space<hbm>> -> memref<512x128xf32, #tpu.memory_space<hbm>>
    %dma_wait3A_567 = arith.constant 0 : i32
    %dma_wait3A_568 = tpu.memref_slice %arg6[%squeeze3A_125, %dma_wait3A_567] : memref<680x128xf32, #tpu.memory_space<vmem_shared>> -> memref<512x128xf32, #tpu.memory_space<vmem_shared>>
    tpu.wait_dma2 semaphore(%arg9 : memref<!tpu.dma_semaphore, #tpu.memory_space<semaphore_mem>>) src(%dma_wait3A_568 : memref<512x128xf32, #tpu.memory_space<vmem_shared>>) dst(%dma_wait3A_566 : memref<512x128xf32, #tpu.memory_space<hbm>>)
    %dma_wait3A_569 = arith.constant 0 : i32
    %dma_wait3A_570 = tpu.memref_slice %arg4[%mul3A_296, %dma_wait3A_569] : memref<524288x128xf32, #tpu.memory_space<hbm>> -> memref<512x128xf32, #tpu.memory_space<hbm>>
    %dma_wait3A_571 = arith.constant 0 : i32
    %dma_wait3A_572 = tpu.memref_slice %arg6[%squeeze3A_127, %dma_wait3A_571] : memref<680x128xf32, #tpu.memory_space<vmem_shared>> -> memref<512x128xf32, #tpu.memory_space<vmem_shared>>
    tpu.wait_dma2 semaphore(%arg9 : memref<!tpu.dma_semaphore, #tpu.memory_space<semaphore_mem>>) src(%dma_wait3A_572 : memref<512x128xf32, #tpu.memory_space<vmem_shared>>) dst(%dma_wait3A_570 : memref<512x128xf32, #tpu.memory_space<hbm>>)
    %dma_wait3A_573 = arith.constant 0 : i32
    %dma_wait3A_574 = tpu.memref_slice %arg5[%squeeze3A_129, %dma_wait3A_573] : memref<680x128xf32, #tpu.memory_space<vmem>> -> memref<512x128xf32, #tpu.memory_space<vmem>>
    %dma_wait3A_575 = arith.constant 0 : i32
    %dma_wait3A_576 = tpu.memref_slice %arg4[%mul3A_304, %dma_wait3A_575] : memref<524288x128xf32, #tpu.memory_space<hbm>> -> memref<512x128xf32, #tpu.memory_space<hbm>>
    %dma_wait3A_577 = arith.constant 0 : i32
    %dma_wait3A_578 = tpu.memref_slice %arg4[%mul3A_304, %dma_wait3A_577] : memref<524288x128xf32, #tpu.memory_space<hbm>> -> memref<512x128xf32, #tpu.memory_space<hbm>>
    %dma_wait3A_579 = arith.constant 0 : i32
    %dma_wait3A_580 = tpu.memref_slice %arg5[%squeeze3A_129, %dma_wait3A_579] : memref<680x128xf32, #tpu.memory_space<vmem>> -> memref<512x128xf32, #tpu.memory_space<vmem>>
    tpu.wait_dma2 semaphore(%arg8 : memref<!tpu.dma_semaphore, #tpu.memory_space<semaphore_mem>>) src(%dma_wait3A_580 : memref<512x128xf32, #tpu.memory_space<vmem>>) dst(%dma_wait3A_578 : memref<512x128xf32, #tpu.memory_space<hbm>>)
    %dma_wait3A_581 = arith.constant 0 : i32
    %dma_wait3A_582 = tpu.memref_slice %arg5[%squeeze3A_131, %dma_wait3A_581] : memref<680x128xf32, #tpu.memory_space<vmem>> -> memref<512x128xf32, #tpu.memory_space<vmem>>
    %dma_wait3A_583 = arith.constant 0 : i32
    %dma_wait3A_584 = tpu.memref_slice %arg4[%mul3A_316, %dma_wait3A_583] : memref<524288x128xf32, #tpu.memory_space<hbm>> -> memref<512x128xf32, #tpu.memory_space<hbm>>
    %dma_wait3A_585 = arith.constant 0 : i32
    %dma_wait3A_586 = tpu.memref_slice %arg4[%mul3A_316, %dma_wait3A_585] : memref<524288x128xf32, #tpu.memory_space<hbm>> -> memref<512x128xf32, #tpu.memory_space<hbm>>
    %dma_wait3A_587 = arith.constant 0 : i32
    %dma_wait3A_588 = tpu.memref_slice %arg5[%squeeze3A_131, %dma_wait3A_587] : memref<680x128xf32, #tpu.memory_space<vmem>> -> memref<512x128xf32, #tpu.memory_space<vmem>>
    tpu.wait_dma2 semaphore(%arg8 : memref<!tpu.dma_semaphore, #tpu.memory_space<semaphore_mem>>) src(%dma_wait3A_588 : memref<512x128xf32, #tpu.memory_space<vmem>>) dst(%dma_wait3A_586 : memref<512x128xf32, #tpu.memory_space<hbm>>)
    %dma_wait3A_589 = arith.constant 0 : i32
    %dma_wait3A_590 = tpu.memref_slice %arg5[%squeeze3A_158, %dma_wait3A_589] : memref<680x128xf32, #tpu.memory_space<vmem>> -> memref<512x128xf32, #tpu.memory_space<vmem>>
    %dma_wait3A_591 = arith.constant 0 : i32
    %dma_wait3A_592 = tpu.memref_slice %arg4[%mul3A_328, %dma_wait3A_591] : memref<524288x128xf32, #tpu.memory_space<hbm>> -> memref<512x128xf32, #tpu.memory_space<hbm>>
    %dma_wait3A_593 = arith.constant 0 : i32
    %dma_wait3A_594 = tpu.memref_slice %arg4[%mul3A_328, %dma_wait3A_593] : memref<524288x128xf32, #tpu.memory_space<hbm>> -> memref<512x128xf32, #tpu.memory_space<hbm>>
    %dma_wait3A_595 = arith.constant 0 : i32
    %dma_wait3A_596 = tpu.memref_slice %arg5[%squeeze3A_158, %dma_wait3A_595] : memref<680x128xf32, #tpu.memory_space<vmem>> -> memref<512x128xf32, #tpu.memory_space<vmem>>
    tpu.wait_dma2 semaphore(%arg8 : memref<!tpu.dma_semaphore, #tpu.memory_space<semaphore_mem>>) src(%dma_wait3A_596 : memref<512x128xf32, #tpu.memory_space<vmem>>) dst(%dma_wait3A_594 : memref<512x128xf32, #tpu.memory_space<hbm>>)
    %dma_wait3A_597 = arith.constant 0 : i32
    %dma_wait3A_598 = tpu.memref_slice %arg5[%squeeze3A_160, %dma_wait3A_597] : memref<680x128xf32, #tpu.memory_space<vmem>> -> memref<512x128xf32, #tpu.memory_space<vmem>>
    %dma_wait3A_599 = arith.constant 0 : i32
    %dma_wait3A_600 = tpu.memref_slice %arg4[%mul3A_340, %dma_wait3A_599] : memref<524288x128xf32, #tpu.memory_space<hbm>> -> memref<512x128xf32, #tpu.memory_space<hbm>>
    %dma_wait3A_601 = arith.constant 0 : i32
    %dma_wait3A_602 = tpu.memref_slice %arg4[%mul3A_340, %dma_wait3A_601] : memref<524288x128xf32, #tpu.memory_space<hbm>> -> memref<512x128xf32, #tpu.memory_space<hbm>>
    %dma_wait3A_603 = arith.constant 0 : i32
    %dma_wait3A_604 = tpu.memref_slice %arg5[%squeeze3A_160, %dma_wait3A_603] : memref<680x128xf32, #tpu.memory_space<vmem>> -> memref<512x128xf32, #tpu.memory_space<vmem>>
    tpu.wait_dma2 semaphore(%arg8 : memref<!tpu.dma_semaphore, #tpu.memory_space<semaphore_mem>>) src(%dma_wait3A_604 : memref<512x128xf32, #tpu.memory_space<vmem>>) dst(%dma_wait3A_602 : memref<512x128xf32, #tpu.memory_space<hbm>>)
    %dma_wait3A_605 = arith.constant 0 : i32
    %dma_wait3A_606 = tpu.memref_slice %arg5[%squeeze3A_162, %dma_wait3A_605] : memref<680x128xf32, #tpu.memory_space<vmem>> -> memref<512x128xf32, #tpu.memory_space<vmem>>
    %dma_wait3A_607 = arith.constant 0 : i32
    %dma_wait3A_608 = tpu.memref_slice %arg4[%mul3A_352, %dma_wait3A_607] : memref<524288x128xf32, #tpu.memory_space<hbm>> -> memref<512x128xf32, #tpu.memory_space<hbm>>
    %dma_wait3A_609 = arith.constant 0 : i32
    %dma_wait3A_610 = tpu.memref_slice %arg4[%mul3A_352, %dma_wait3A_609] : memref<524288x128xf32, #tpu.memory_space<hbm>> -> memref<512x128xf32, #tpu.memory_space<hbm>>
    %dma_wait3A_611 = arith.constant 0 : i32
    %dma_wait3A_612 = tpu.memref_slice %arg5[%squeeze3A_162, %dma_wait3A_611] : memref<680x128xf32, #tpu.memory_space<vmem>> -> memref<512x128xf32, #tpu.memory_space<vmem>>
    tpu.wait_dma2 semaphore(%arg8 : memref<!tpu.dma_semaphore, #tpu.memory_space<semaphore_mem>>) src(%dma_wait3A_612 : memref<512x128xf32, #tpu.memory_space<vmem>>) dst(%dma_wait3A_610 : memref<512x128xf32, #tpu.memory_space<hbm>>)
    %dma_wait3A_613 = arith.constant 0 : i32
    %dma_wait3A_614 = tpu.memref_slice %arg5[%squeeze3A_164, %dma_wait3A_613] : memref<680x128xf32, #tpu.memory_space<vmem>> -> memref<512x128xf32, #tpu.memory_space<vmem>>
    %dma_wait3A_615 = arith.constant 0 : i32
    %dma_wait3A_616 = tpu.memref_slice %arg4[%mul3A_364, %dma_wait3A_615] : memref<524288x128xf32, #tpu.memory_space<hbm>> -> memref<512x128xf32, #tpu.memory_space<hbm>>
    %dma_wait3A_617 = arith.constant 0 : i32
    %dma_wait3A_618 = tpu.memref_slice %arg4[%mul3A_364, %dma_wait3A_617] : memref<524288x128xf32, #tpu.memory_space<hbm>> -> memref<512x128xf32, #tpu.memory_space<hbm>>
    %dma_wait3A_619 = arith.constant 0 : i32
    %dma_wait3A_620 = tpu.memref_slice %arg5[%squeeze3A_164, %dma_wait3A_619] : memref<680x128xf32, #tpu.memory_space<vmem>> -> memref<512x128xf32, #tpu.memory_space<vmem>>
    tpu.wait_dma2 semaphore(%arg8 : memref<!tpu.dma_semaphore, #tpu.memory_space<semaphore_mem>>) src(%dma_wait3A_620 : memref<512x128xf32, #tpu.memory_space<vmem>>) dst(%dma_wait3A_618 : memref<512x128xf32, #tpu.memory_space<hbm>>)
    %dma_wait3A_621 = arith.constant 0 : i32
    %dma_wait3A_622 = tpu.memref_slice %arg5[%squeeze3A_166, %dma_wait3A_621] : memref<680x128xf32, #tpu.memory_space<vmem>> -> memref<512x128xf32, #tpu.memory_space<vmem>>
    %dma_wait3A_623 = arith.constant 0 : i32
    %dma_wait3A_624 = tpu.memref_slice %arg4[%mul3A_376, %dma_wait3A_623] : memref<524288x128xf32, #tpu.memory_space<hbm>> -> memref<512x128xf32, #tpu.memory_space<hbm>>
    %dma_wait3A_625 = arith.constant 0 : i32
    %dma_wait3A_626 = tpu.memref_slice %arg4[%mul3A_376, %dma_wait3A_625] : memref<524288x128xf32, #tpu.memory_space<hbm>> -> memref<512x128xf32, #tpu.memory_space<hbm>>
    %dma_wait3A_627 = arith.constant 0 : i32
    %dma_wait3A_628 = tpu.memref_slice %arg5[%squeeze3A_166, %dma_wait3A_627] : memref<680x128xf32, #tpu.memory_space<vmem>> -> memref<512x128xf32, #tpu.memory_space<vmem>>
    tpu.wait_dma2 semaphore(%arg8 : memref<!tpu.dma_semaphore, #tpu.memory_space<semaphore_mem>>) src(%dma_wait3A_628 : memref<512x128xf32, #tpu.memory_space<vmem>>) dst(%dma_wait3A_626 : memref<512x128xf32, #tpu.memory_space<hbm>>)
    %dma_wait3A_629 = arith.constant 0 : i32
    %dma_wait3A_630 = tpu.memref_slice %arg5[%squeeze3A_168, %dma_wait3A_629] : memref<680x128xf32, #tpu.memory_space<vmem>> -> memref<512x128xf32, #tpu.memory_space<vmem>>
    %dma_wait3A_631 = arith.constant 0 : i32
    %dma_wait3A_632 = tpu.memref_slice %arg4[%mul3A_388, %dma_wait3A_631] : memref<524288x128xf32, #tpu.memory_space<hbm>> -> memref<512x128xf32, #tpu.memory_space<hbm>>
    %dma_wait3A_633 = arith.constant 0 : i32
    %dma_wait3A_634 = tpu.memref_slice %arg4[%mul3A_388, %dma_wait3A_633] : memref<524288x128xf32, #tpu.memory_space<hbm>> -> memref<512x128xf32, #tpu.memory_space<hbm>>
    %dma_wait3A_635 = arith.constant 0 : i32
    %dma_wait3A_636 = tpu.memref_slice %arg5[%squeeze3A_168, %dma_wait3A_635] : memref<680x128xf32, #tpu.memory_space<vmem>> -> memref<512x128xf32, #tpu.memory_space<vmem>>
    tpu.wait_dma2 semaphore(%arg8 : memref<!tpu.dma_semaphore, #tpu.memory_space<semaphore_mem>>) src(%dma_wait3A_636 : memref<512x128xf32, #tpu.memory_space<vmem>>) dst(%dma_wait3A_634 : memref<512x128xf32, #tpu.memory_space<hbm>>)
    %dma_wait3A_637 = arith.constant 0 : i32
    %dma_wait3A_638 = tpu.memref_slice %arg5[%squeeze3A_170, %dma_wait3A_637] : memref<680x128xf32, #tpu.memory_space<vmem>> -> memref<512x128xf32, #tpu.memory_space<vmem>>
    %dma_wait3A_639 = arith.constant 0 : i32
    %dma_wait3A_640 = tpu.memref_slice %arg4[%mul3A_400, %dma_wait3A_639] : memref<524288x128xf32, #tpu.memory_space<hbm>> -> memref<512x128xf32, #tpu.memory_space<hbm>>
    %dma_wait3A_641 = arith.constant 0 : i32
    %dma_wait3A_642 = tpu.memref_slice %arg4[%mul3A_400, %dma_wait3A_641] : memref<524288x128xf32, #tpu.memory_space<hbm>> -> memref<512x128xf32, #tpu.memory_space<hbm>>
    %dma_wait3A_643 = arith.constant 0 : i32
    %dma_wait3A_644 = tpu.memref_slice %arg5[%squeeze3A_170, %dma_wait3A_643] : memref<680x128xf32, #tpu.memory_space<vmem>> -> memref<512x128xf32, #tpu.memory_space<vmem>>
    tpu.wait_dma2 semaphore(%arg8 : memref<!tpu.dma_semaphore, #tpu.memory_space<semaphore_mem>>) src(%dma_wait3A_644 : memref<512x128xf32, #tpu.memory_space<vmem>>) dst(%dma_wait3A_642 : memref<512x128xf32, #tpu.memory_space<hbm>>)
    %dma_wait3A_645 = arith.constant 0 : i32
    %dma_wait3A_646 = tpu.memref_slice %arg5[%squeeze3A_172, %dma_wait3A_645] : memref<680x128xf32, #tpu.memory_space<vmem>> -> memref<512x128xf32, #tpu.memory_space<vmem>>
    %dma_wait3A_647 = arith.constant 0 : i32
    %dma_wait3A_648 = tpu.memref_slice %arg4[%mul3A_412, %dma_wait3A_647] : memref<524288x128xf32, #tpu.memory_space<hbm>> -> memref<512x128xf32, #tpu.memory_space<hbm>>
    %dma_wait3A_649 = arith.constant 0 : i32
    %dma_wait3A_650 = tpu.memref_slice %arg4[%mul3A_412, %dma_wait3A_649] : memref<524288x128xf32, #tpu.memory_space<hbm>> -> memref<512x128xf32, #tpu.memory_space<hbm>>
    %dma_wait3A_651 = arith.constant 0 : i32
    %dma_wait3A_652 = tpu.memref_slice %arg5[%squeeze3A_172, %dma_wait3A_651] : memref<680x128xf32, #tpu.memory_space<vmem>> -> memref<512x128xf32, #tpu.memory_space<vmem>>
    tpu.wait_dma2 semaphore(%arg8 : memref<!tpu.dma_semaphore, #tpu.memory_space<semaphore_mem>>) src(%dma_wait3A_652 : memref<512x128xf32, #tpu.memory_space<vmem>>) dst(%dma_wait3A_650 : memref<512x128xf32, #tpu.memory_space<hbm>>)
    %dma_wait3A_653 = arith.constant 0 : i32
    %dma_wait3A_654 = tpu.memref_slice %arg5[%squeeze3A_174, %dma_wait3A_653] : memref<680x128xf32, #tpu.memory_space<vmem>> -> memref<512x128xf32, #tpu.memory_space<vmem>>
    %dma_wait3A_655 = arith.constant 0 : i32
    %dma_wait3A_656 = tpu.memref_slice %arg4[%mul3A_424, %dma_wait3A_655] : memref<524288x128xf32, #tpu.memory_space<hbm>> -> memref<512x128xf32, #tpu.memory_space<hbm>>
    %dma_wait3A_657 = arith.constant 0 : i32
    %dma_wait3A_658 = tpu.memref_slice %arg4[%mul3A_424, %dma_wait3A_657] : memref<524288x128xf32, #tpu.memory_space<hbm>> -> memref<512x128xf32, #tpu.memory_space<hbm>>
    %dma_wait3A_659 = arith.constant 0 : i32
    %dma_wait3A_660 = tpu.memref_slice %arg5[%squeeze3A_174, %dma_wait3A_659] : memref<680x128xf32, #tpu.memory_space<vmem>> -> memref<512x128xf32, #tpu.memory_space<vmem>>
    tpu.wait_dma2 semaphore(%arg8 : memref<!tpu.dma_semaphore, #tpu.memory_space<semaphore_mem>>) src(%dma_wait3A_660 : memref<512x128xf32, #tpu.memory_space<vmem>>) dst(%dma_wait3A_658 : memref<512x128xf32, #tpu.memory_space<hbm>>)
    %dma_wait3A_661 = arith.constant 0 : i32
    %dma_wait3A_662 = tpu.memref_slice %arg5[%squeeze3A_176, %dma_wait3A_661] : memref<680x128xf32, #tpu.memory_space<vmem>> -> memref<512x128xf32, #tpu.memory_space<vmem>>
    %dma_wait3A_663 = arith.constant 0 : i32
    %dma_wait3A_664 = tpu.memref_slice %arg4[%mul3A_436, %dma_wait3A_663] : memref<524288x128xf32, #tpu.memory_space<hbm>> -> memref<512x128xf32, #tpu.memory_space<hbm>>
    %dma_wait3A_665 = arith.constant 0 : i32
    %dma_wait3A_666 = tpu.memref_slice %arg4[%mul3A_436, %dma_wait3A_665] : memref<524288x128xf32, #tpu.memory_space<hbm>> -> memref<512x128xf32, #tpu.memory_space<hbm>>
    %dma_wait3A_667 = arith.constant 0 : i32
    %dma_wait3A_668 = tpu.memref_slice %arg5[%squeeze3A_176, %dma_wait3A_667] : memref<680x128xf32, #tpu.memory_space<vmem>> -> memref<512x128xf32, #tpu.memory_space<vmem>>
    tpu.wait_dma2 semaphore(%arg8 : memref<!tpu.dma_semaphore, #tpu.memory_space<semaphore_mem>>) src(%dma_wait3A_668 : memref<512x128xf32, #tpu.memory_space<vmem>>) dst(%dma_wait3A_666 : memref<512x128xf32, #tpu.memory_space<hbm>>)
    %dma_wait3A_669 = arith.constant 0 : i32
    %dma_wait3A_670 = tpu.memref_slice %arg5[%squeeze3A_178, %dma_wait3A_669] : memref<680x128xf32, #tpu.memory_space<vmem>> -> memref<512x128xf32, #tpu.memory_space<vmem>>
    %dma_wait3A_671 = arith.constant 0 : i32
    %dma_wait3A_672 = tpu.memref_slice %arg4[%mul3A_448, %dma_wait3A_671] : memref<524288x128xf32, #tpu.memory_space<hbm>> -> memref<512x128xf32, #tpu.memory_space<hbm>>
    %dma_wait3A_673 = arith.constant 0 : i32
    %dma_wait3A_674 = tpu.memref_slice %arg4[%mul3A_448, %dma_wait3A_673] : memref<524288x128xf32, #tpu.memory_space<hbm>> -> memref<512x128xf32, #tpu.memory_space<hbm>>
    %dma_wait3A_675 = arith.constant 0 : i32
    %dma_wait3A_676 = tpu.memref_slice %arg5[%squeeze3A_178, %dma_wait3A_675] : memref<680x128xf32, #tpu.memory_space<vmem>> -> memref<512x128xf32, #tpu.memory_space<vmem>>
    tpu.wait_dma2 semaphore(%arg8 : memref<!tpu.dma_semaphore, #tpu.memory_space<semaphore_mem>>) src(%dma_wait3A_676 : memref<512x128xf32, #tpu.memory_space<vmem>>) dst(%dma_wait3A_674 : memref<512x128xf32, #tpu.memory_space<hbm>>)
    %dma_wait3A_677 = arith.constant 0 : i32
    %dma_wait3A_678 = tpu.memref_slice %arg5[%squeeze3A_180, %dma_wait3A_677] : memref<680x128xf32, #tpu.memory_space<vmem>> -> memref<512x128xf32, #tpu.memory_space<vmem>>
    %dma_wait3A_679 = arith.constant 0 : i32
    %dma_wait3A_680 = tpu.memref_slice %arg4[%mul3A_460, %dma_wait3A_679] : memref<524288x128xf32, #tpu.memory_space<hbm>> -> memref<512x128xf32, #tpu.memory_space<hbm>>
    %dma_wait3A_681 = arith.constant 0 : i32
    %dma_wait3A_682 = tpu.memref_slice %arg4[%mul3A_460, %dma_wait3A_681] : memref<524288x128xf32, #tpu.memory_space<hbm>> -> memref<512x128xf32, #tpu.memory_space<hbm>>
    %dma_wait3A_683 = arith.constant 0 : i32
    %dma_wait3A_684 = tpu.memref_slice %arg5[%squeeze3A_180, %dma_wait3A_683] : memref<680x128xf32, #tpu.memory_space<vmem>> -> memref<512x128xf32, #tpu.memory_space<vmem>>
    tpu.wait_dma2 semaphore(%arg8 : memref<!tpu.dma_semaphore, #tpu.memory_space<semaphore_mem>>) src(%dma_wait3A_684 : memref<512x128xf32, #tpu.memory_space<vmem>>) dst(%dma_wait3A_682 : memref<512x128xf32, #tpu.memory_space<hbm>>)
    %dma_wait3A_685 = arith.constant 0 : i32
    %dma_wait3A_686 = tpu.memref_slice %arg5[%squeeze3A_182, %dma_wait3A_685] : memref<680x128xf32, #tpu.memory_space<vmem>> -> memref<512x128xf32, #tpu.memory_space<vmem>>
    %dma_wait3A_687 = arith.constant 0 : i32
    %dma_wait3A_688 = tpu.memref_slice %arg4[%mul3A_472, %dma_wait3A_687] : memref<524288x128xf32, #tpu.memory_space<hbm>> -> memref<512x128xf32, #tpu.memory_space<hbm>>
    %dma_wait3A_689 = arith.constant 0 : i32
    %dma_wait3A_690 = tpu.memref_slice %arg4[%mul3A_472, %dma_wait3A_689] : memref<524288x128xf32, #tpu.memory_space<hbm>> -> memref<512x128xf32, #tpu.memory_space<hbm>>
    %dma_wait3A_691 = arith.constant 0 : i32
    %dma_wait3A_692 = tpu.memref_slice %arg5[%squeeze3A_182, %dma_wait3A_691] : memref<680x128xf32, #tpu.memory_space<vmem>> -> memref<512x128xf32, #tpu.memory_space<vmem>>
    tpu.wait_dma2 semaphore(%arg8 : memref<!tpu.dma_semaphore, #tpu.memory_space<semaphore_mem>>) src(%dma_wait3A_692 : memref<512x128xf32, #tpu.memory_space<vmem>>) dst(%dma_wait3A_690 : memref<512x128xf32, #tpu.memory_space<hbm>>)
    %dma_wait3A_693 = arith.constant 0 : i32
    %dma_wait3A_694 = tpu.memref_slice %arg5[%squeeze3A_184, %dma_wait3A_693] : memref<680x128xf32, #tpu.memory_space<vmem>> -> memref<512x128xf32, #tpu.memory_space<vmem>>
    %dma_wait3A_695 = arith.constant 0 : i32
    %dma_wait3A_696 = tpu.memref_slice %arg4[%mul3A_484, %dma_wait3A_695] : memref<524288x128xf32, #tpu.memory_space<hbm>> -> memref<512x128xf32, #tpu.memory_space<hbm>>
    %dma_wait3A_697 = arith.constant 0 : i32
    %dma_wait3A_698 = tpu.memref_slice %arg4[%mul3A_484, %dma_wait3A_697] : memref<524288x128xf32, #tpu.memory_space<hbm>> -> memref<512x128xf32, #tpu.memory_space<hbm>>
    %dma_wait3A_699 = arith.constant 0 : i32
    %dma_wait3A_700 = tpu.memref_slice %arg5[%squeeze3A_184, %dma_wait3A_699] : memref<680x128xf32, #tpu.memory_space<vmem>> -> memref<512x128xf32, #tpu.memory_space<vmem>>
    tpu.wait_dma2 semaphore(%arg8 : memref<!tpu.dma_semaphore, #tpu.memory_space<semaphore_mem>>) src(%dma_wait3A_700 : memref<512x128xf32, #tpu.memory_space<vmem>>) dst(%dma_wait3A_698 : memref<512x128xf32, #tpu.memory_space<hbm>>)
    %dma_wait3A_701 = arith.constant 0 : i32
    %dma_wait3A_702 = tpu.memref_slice %arg5[%squeeze3A_186, %dma_wait3A_701] : memref<680x128xf32, #tpu.memory_space<vmem>> -> memref<512x128xf32, #tpu.memory_space<vmem>>
    %dma_wait3A_703 = arith.constant 0 : i32
    %dma_wait3A_704 = tpu.memref_slice %arg4[%mul3A_496, %dma_wait3A_703] : memref<524288x128xf32, #tpu.memory_space<hbm>> -> memref<512x128xf32, #tpu.memory_space<hbm>>
    %dma_wait3A_705 = arith.constant 0 : i32
    %dma_wait3A_706 = tpu.memref_slice %arg4[%mul3A_496, %dma_wait3A_705] : memref<524288x128xf32, #tpu.memory_space<hbm>> -> memref<512x128xf32, #tpu.memory_space<hbm>>
    %dma_wait3A_707 = arith.constant 0 : i32
    %dma_wait3A_708 = tpu.memref_slice %arg5[%squeeze3A_186, %dma_wait3A_707] : memref<680x128xf32, #tpu.memory_space<vmem>> -> memref<512x128xf32, #tpu.memory_space<vmem>>
    tpu.wait_dma2 semaphore(%arg8 : memref<!tpu.dma_semaphore, #tpu.memory_space<semaphore_mem>>) src(%dma_wait3A_708 : memref<512x128xf32, #tpu.memory_space<vmem>>) dst(%dma_wait3A_706 : memref<512x128xf32, #tpu.memory_space<hbm>>)
    %dma_wait3A_709 = arith.constant 0 : i32
    %dma_wait3A_710 = tpu.memref_slice %arg5[%squeeze3A_188, %dma_wait3A_709] : memref<680x128xf32, #tpu.memory_space<vmem>> -> memref<512x128xf32, #tpu.memory_space<vmem>>
    %dma_wait3A_711 = arith.constant 0 : i32
    %dma_wait3A_712 = tpu.memref_slice %arg4[%mul3A_508, %dma_wait3A_711] : memref<524288x128xf32, #tpu.memory_space<hbm>> -> memref<512x128xf32, #tpu.memory_space<hbm>>
    %dma_wait3A_713 = arith.constant 0 : i32
    %dma_wait3A_714 = tpu.memref_slice %arg4[%mul3A_508, %dma_wait3A_713] : memref<524288x128xf32, #tpu.memory_space<hbm>> -> memref<512x128xf32, #tpu.memory_space<hbm>>
    %dma_wait3A_715 = arith.constant 0 : i32
    %dma_wait3A_716 = tpu.memref_slice %arg5[%squeeze3A_188, %dma_wait3A_715] : memref<680x128xf32, #tpu.memory_space<vmem>> -> memref<512x128xf32, #tpu.memory_space<vmem>>
    tpu.wait_dma2 semaphore(%arg8 : memref<!tpu.dma_semaphore, #tpu.memory_space<semaphore_mem>>) src(%dma_wait3A_716 : memref<512x128xf32, #tpu.memory_space<vmem>>) dst(%dma_wait3A_714 : memref<512x128xf32, #tpu.memory_space<hbm>>)
    return
  }
}

</mosaic_0001>

<sc_bundles>
// kernel: kernel.3.cloned.1.call-start
scs
__scs_entry_jumppad:
0x0: {  	(pc) =	sbr.rel $0x88, $3  }
0x1: {  	(tag) =	ssettag $0x0;
	lr =	simm.s32 $0x1  }
0x2: {  	[smem:$0x3F9F] =	sst lr;
	_ =	strace $0xD0000000  }
0x3: {  	_ = 	snop  }
0x4: {  	_ = 	snop  }
0x5: {  	_ = 	snop  }
0x6: {  	_ = 	snop  }
0x7: {  	_ = 	snop  }
__scs_overlays_trampoline_lowered:
0x8: {  	[smem:$0x3FAE] =	sst s0  }
0x9: {  	[smem:$0x3FAF] =	sst s1  }
0xa: {  	[smem:$0x3FB0] =	sst s2  }
0xb: {  	[smem:$0x3FB1] =	sst s3  }
0xc: {  	[smem:$0x3FB2] =	sst s4  }
0xd: {  	[smem:$0x3FB3] =	sst s5  }
0xe: {  	[smem:$0x3FB4] =	sst s6  }
0xf: {  	[smem:$0x3FB5] =	sst s7  }
0x10: {  	[smem:$0x3FB6] =	sst s8  }
0x11: {  	[smem:$0x3FB7] =	sst s9;
	s0 =	simm.s32 @!p0 $0x0  }
0x12: {  	s1 =	sld [smem:$0x3F9D];
	s0 =	simm.s32 @p0 $0x1  }
0x13: {  	[smem:$0x3FB8] =	sst s0;
	s0 =	simm.s32 @!p1 $0x0  }
0x14: {  	s2 =	sld [smem:$0x3F9C];
	s0 =	simm.s32 @p1 $0x1  }
0x15: {  	[smem:$0x3FB9] =	sst s0;
	s0 =	simm.s32 @!p2 $0x0  }
0x16: {  	s3 =	sld [smem:$0x3FDB];
	s0 =	simm.s32 @p2 $0x1  }
0x17: {  	s4 =	simm.s32 $0x1BF5;
	[smem:$0x3FBB] =	sst s0  }
0x18: {  	s0 =	sld [smem:$0x3F9E];
	_ =	swait.ge [sflag:s4], $0x0  }
0x19: {  	s7 =	sld [smem:$0x3F9F]  }
0x1a: {  	s8 =	sadd.s32 $0xFFFFE003, lr  }
0x1b: {  	s9 =	sadd.s32 $0xFFFFFEF7, lr;
	s5 =	simm.s32 $0xFFFFFFFF;
	p2 =	slt.u32 s8, $0xFFFFF086  }
0x1c: {  	p1 =	slt.u32 s9, $0xF7A;
	s5 =	simm.s32 @!p2 $0x0  }
0x1d: {  	s5 =	simm.s32 @p1 $0x1;
	p0 =	seq.s32 s7, s2  }
0x1e: {  	s7 =	smul.u32 @!p0 $0xF7A, s2;
	p2 =	seq.s32 @!p0 s5, $0x0  }
0x1f: {  	s9 =	smul.u32 $0xF7A, s1;
	s8 =	simm.s32 @!p0 $0x1BF5;
	p2 =	por !p2, p0  }
0x20: {  	[sflag:s8] =	ssyncset.s32 @!p0 $0xFFFFF086;
	s6 =	sadd.s32 @!p0 s3, s7;
	s7 =	simm.s32 @!p0 $0x108  }
0x21: {  	s3 =	sadd.s32 s3, s9;
	s6 =	sadd.s32 @!p0 $0x88, s6;
	s7 =	simm.s32 @p2 $0x1082  }
0x22: {  	[simem:s7], [sflag:s8] =	dma.local @!p0 [hbm:s6], $0xF7A  }
0x23: {  	s9 =	sor.u32 $0xD0000000, s2;
	s6 =	simm.s32 $0x108;
	_ =	swait.ge @!p0 [sflag:s8], $0x0  }
0x24: {  	s3 =	sadd.s32 $0x88, s3;
	s6 =	simm.s32 @!p1 $0x1082;
	[sflag:s4] =	ssyncset.s32 $0xFFFFF086  }
0x25: {  	[simem:s6], [sflag:s4] =	dma.local [hbm:s3], $0xF7A  }
0x26: {  	[smem:$0x3F9F] =	sst s1;
	(tag) =	ssettag s2;
	_ =	strace s9  }
0x27: {  	s1 =	sld [smem:$0x3FAF]  }
0x28: {  	s2 =	sld [smem:$0x3FB0]  }
0x29: {  	s4 =	sld [smem:$0x3FB2]  }
0x2a: {  	p0 =	seq.s32 s5, $0x0;
	s5 =	sld [smem:$0x3FB3]  }
0x2b: {  	s6 =	sld [smem:$0x3FB4]  }
0x2c: {  	s7 =	sld [smem:$0x3FB5]  }
0x2d: {  	s3 =	simm.s32 $0x108;
	s8 =	sld [smem:$0x3FB6]  }
0x2e: {  	s3 =	simm.s32 @!p0 $0x1082;
	s9 =	sld [smem:$0x3FB7]  }
0x2f: {  	lr =	sadd.s32 s0, s3;
	s0 =	sld [smem:$0x3FAE]  }
0x30: {  	s3 =	sld [smem:$0x3FB1]  }
0x31: {  	[smem:$0x3FBA] =	sst s10  }
0x32: {  	s10 =	sld [smem:$0x3FB8];
	_ =	sdelay $0x3  }
0x33: {  	p0 =	seq.s32 s10, $0x1;
	s10 =	sld [smem:$0x3FBA];
	_ =	sdelay $0x3  }
0x34: {  	[smem:$0x3FBA] =	sst s10  }
0x35: {  	s10 =	sld [smem:$0x3FB9];
	_ =	sdelay $0x3  }
0x36: {  	p1 =	seq.s32 s10, $0x1;
	s10 =	sld [smem:$0x3FBA];
	_ =	sdelay $0x3  }
0x37: {  	[smem:$0x3FBA] =	sst s10  }
0x38: {  	s10 =	sld [smem:$0x3FBB]  }
0x39: {  	_ = 	snop;
	(pc) =	sbr.ind lr, $3  }
0x3a: {  	_ = 	snop  }
0x3b: {  	_ = 	snop  }
0x3c: {  	p2 =	seq.s32 s10, $0x1;
	s10 =	sld [smem:$0x3FBA]  }
0x3d: {  	_ =	shalt  }
0x3e: {  	_ =	shalt  }
0x3f: {  	_ =	shalt  }
0x40: {  	_ =	shalt  }
0x41: {  	_ =	shalt  }
0x42: {  	_ =	shalt  }
0x43: {  	_ =	shalt  }
0x44: {  	_ =	shalt  }
0x45: {  	_ =	shalt  }
0x46: {  	_ =	shalt  }
0x47: {  	_ =	shalt  }
0x48: {  	_ =	shalt  }
0x49: {  	_ =	shalt  }
0x4a: {  	_ =	shalt  }
0x4b: {  	_ =	shalt  }
0x4c: {  	_ =	shalt  }
0x4d: {  	_ =	shalt  }
0x4e: {  	_ =	shalt  }
0x4f: {  	_ =	shalt  }
0x50: {  	_ =	shalt  }
0x51: {  	_ =	shalt  }
0x52: {  	_ =	shalt  }
0x53: {  	_ =	shalt  }
0x54: {  	_ =	shalt  }
0x55: {  	_ =	shalt  }
0x56: {  	_ =	shalt  }
0x57: {  	_ =	shalt  }
0x58: {  	_ =	shalt  }
0x59: {  	_ =	shalt  }
0x5a: {  	_ =	shalt  }
0x5b: {  	_ =	shalt  }
0x5c: {  	_ =	shalt  }
0x5d: {  	_ =	shalt  }
0x5e: {  	_ =	shalt  }
0x5f: {  	_ =	shalt  }
0x60: {  	_ =	shalt  }
0x61: {  	_ =	shalt  }
0x62: {  	_ =	shalt  }
0x63: {  	_ =	shalt  }
0x64: {  	_ =	shalt  }
0x65: {  	_ =	shalt  }
0x66: {  	_ =	shalt  }
0x67: {  	_ =	shalt  }
0x68: {  	_ =	shalt  }
0x69: {  	_ =	shalt  }
0x6a: {  	_ =	shalt  }
0x6b: {  	_ =	shalt  }
0x6c: {  	_ =	shalt  }
0x6d: {  	_ =	shalt  }
0x6e: {  	_ =	shalt  }
0x6f: {  	_ =	shalt  }
0x70: {  	_ =	shalt  }
0x71: {  	_ =	shalt  }
0x72: {  	_ =	shalt  }
0x73: {  	_ =	shalt  }
0x74: {  	_ =	shalt  }
0x75: {  	_ =	shalt  }
0x76: {  	_ =	shalt  }
0x77: {  	_ =	shalt  }
0x78: {  	_ =	shalt  }
0x79: {  	_ =	shalt  }
0x7a: {  	_ =	shalt  }
0x7b: {  	_ =	shalt  }
0x7c: {  	_ =	shalt  }
0x7d: {  	_ =	shalt  }
0x7e: {  	_ =	shalt  }
0x7f: {  	_ =	shalt  }
0x80: {  	_ =	shalt  }
0x81: {  	_ =	shalt  }
0x82: {  	_ =	shalt  }
0x83: {  	_ =	shalt  }
0x84: {  	_ =	shalt  }
0x85: {  	_ =	shalt  }
0x86: {  	_ =	shalt  }
0x87: {  	_ =	shalt  }
.Lfunc_end0:
.L_simem_size_0:
called_computation_lowered:
.L_overlay_start_0:
0x88: {  	s2 =	sld [smem:$0x3FD9]  }
0x89: {  	s3 =	sld [smem:$0x3FFE];
	_ =	sdelay $0x1  }
0x8a: {  	s1 =	srdreg.scid  }
0x8b: {  	s0 =	sand.u32 $0x1, s1  }
0x8c: {  	s18 =	sshll.u32 s0, $0xA;
	s2 =	sadd.s32 s3, s2  }
0x8d: {  	s2 =	sadd.s32 s2, s18  }
0x8e: {  	[smem:$0x3FC6] =	sst s2  }
0x8f: {  	_ = 	snop  }
0x90: {  	s2 =	sld [smem:$0x3FC9]  }
0x91: {  	s19 =	sld [smem:$0x3FC8]  }
0x92: {  	s4 =	sld [smem:$0x3FD0];
	(tm) =	ssettm $0x1  }
0x93: {  	s5 =	sld [smem:$0x3FFB];
	_ =	sdelay $0x3  }
0x94: {  	_ =	strace s5  }
0x95: {  	s5 =	sld [smem:$0x3FFC];
	_ =	sdelay $0x3  }
0x96: {  	_ =	strace s5  }
0x97: {  	s5 =	sld [smem:$0x3FFD];
	_ =	sdelay $0x3  }
0x98: {  	_ =	strace s5  }
0x99: {  	_ =	strace $0x8FFFFFFF  }
0x9a: {  	s20 =	sld [smem:$0x3FDB];
	_ =	sdelay $0x1  }
0x9b: {  	s6 =	simm.s32 $_scs_section_size  }
0x9c: {  	s7 =	simm.s32 $_size__tile_overlayer_lowered;
	s8 =	simm.s32 $_tile_overlayer_lowered  }
0x9d: {  	s23 =	simm.s32 $0x1BFF;
	s22 =	sshll.u32 s8, $0x1;
	s5 =	sadd.s32 s6, s20  }
0x9e: {  	s9 =	simm.s32 $0x0;
	s21 =	sshll.u32 s7, $0x1;
	s7 =	sadd.s32 s22, s5  }
0x9f: {  	[timem:s9], [sflag:s23] =	dma.local [hbm:s7], s21  }
0xa0: {  	_ =	swait.ge [sflag:s23], s21  }
0xa1: {  	s6 =	ssub.s32 $0x0, s21;
	[sflag:s23] =	ssyncset.done $0x0  }
0xa2: {  	[sflag:s23] =	ssyncadd.s32 s6;
	_ =	sdelay $0x1  }
0xa3: {  	s24 =	simm.s32 $0x1B8B  }
0xa4: {  	_ =	swait.ge [sflag:s24], $0x1  }
0xa5: {  	[sflag:s24] =	ssyncset.done $0x0  }
0xa6: {  	s25 =	simm.s32 $0x1B8E;
	[sflag:s24] =	ssyncadd.s32 $0xFFFFFFFF  }
0xa7: {  	s26 =	simm.s32 $execute0_lowered;
	[smem:$0x3FD2] =	sst s25  }
0xa8: {  	s6 =	sshll.u32 s26, $0x1;
	_ =	strace $0x80000046;
	[dreg:$0x1] =	wrdreg $0xFFFFFFFF  }
0xa9: {  	s28 =	simm.s32 $_size_execute0_lowered;
	s5 =	sadd.s32 s5, s6;
	[dreg:$0x0] =	wrdreg $0x0  }
0xaa: {  	s6 =	sshll.u32 s28, $0x1;
	[dreg:$0x2] =	wrdreg s5  }
0xab: {  	[dreg:$0x3] =	wrdreg s6  }
0xac: {  	[dreg:$0x4] =	wrdreg $0xC0  }
0xad: {  	_ =	task [dreg:s9], $0x5FFFF  }
0xae: {  	[dreg:$0x1] =	wrdreg $0xFFFFFFFF  }
0xaf: {  	[dreg:$0x0] =	wrdreg $0x60  }
0xb0: {  	[dreg:$0x2] =	wrdreg s2  }
0xb1: {  	[dreg:$0x3] =	wrdreg s19  }
0xb2: {  	[dreg:$0x4] =	wrdreg s4  }
0xb3: {  	[dreg:$0x5] =	wrdreg $0x154000  }
0xb4: {  	[dreg:$0x6] =	wrdreg $0x9  }
0xb5: {  	_ =	task.clear_ibuf [dreg:s9], $0x7FFFF;
	_ =	strace $0x90000046  }
0xb6: {  	s29 =	simm.s32 $0x9;
	_ =	strace $0x80000048  }
0xb7: {  	_ =	swait.ge [sflag:s29], $0x1  }
0xb8: {  	[sflag:s29] =	ssyncadd.s32 $0xFFFFFFFF  }
0xb9: {  	_ =	strace $0x90000048  }
0xba: {  	_ =	sfence  }
0xbb: {  	s30 =	sld [smem:$0x0];
	_ =	sdelay $0x2  }
0xbc: {  	s31 =	sshll.u32 s1, $0xD;
	s1 =	sshrl.u32 s1, $0x2  }
0xbd: {  	s3 =	sand.u32 $0x4000, s31;
	s1 =	sadd.s32 s1, s30  }
0xbe: {  	s0 =	sor.u32 s3, s0;
	s1 =	sshll.u32 s1, $0x11  }
0xbf: {  	s0 =	sor.u32 s1, s0  }
0xc0: {  	s0 =	sadd.s32 $0x8F2B, s0  }
0xc1: {  	[sflag:s0] =	ssyncadd.remote.s32 $0x1  }
0xc2: {  	_ =	sfence.sel $0xFFFF  }
0xc3: {  	[dreg:$0x0] =	wrdreg $0xFFFFFFFF;
	(pc) =	sbr.abs _section_cstart, $3  }
0xc4: {  	[dreg:$0x1] =	wrdreg $0xFFFFFFFF  }
0xc5: {  	_ =	task.clear_ibuf [dreg:s9], $0x2FFFF;
	_ =	strace $0x9FFFFFFF  }
0xc6: {  	(tm) =	ssettm $0x7FFFFFFF  }
0xc7: {  	_ =	shalt  }
tec
execute0_lowered:
.L_overlay_start_1:
0x0: {  	(tag) =	ssettag $0x1  }
0x1: {  	s1 =	srdreg.scid;
	s0 =	stileid.u32  }
0x2: {  	s5 =	rddreg [dreg:$0x0];
	s6 =	sand.u32 $0x1, s1;
	s8 =	sshll.u32 s0, $0x1  }
0x3: {  	s7 =	rddreg [dreg:$0x2];
	s8 =	sor.u32 s6, s8  }
0x4: {  	s2 =	rddreg [dreg:$0x3];
	s20 =	simm.s32 $0x0;
	s9 =	sshll.u32 s8, $0x2  }
0x5: {  	[smem:$0x7FF] =	sst s20;
	s8 =	sshll.u32 s8, $0x12;
	s9 =	sadd.s32 s5, s9  }
0x6: {  	_ =	strace $0x80000047;
	s1 =	sadd.s32 s7, s8;
	[dreg:$0x5] =	wrdreg s9  }
0x7: {  	s7 =	sadd.s32 $0x2000, s1;
	[smem:$0x7F3] =	sst s1  }
0x8: {  	s21 =	sadd.s32 $0x4000, s1;
	[dreg:$0x6] =	wrdreg s7  }
0x9: {  	s22 =	sadd.s32 $0x6000, s1;
	[dreg:$0x7] =	wrdreg s21  }
0xa: {  	s23 =	sadd.s32 $0x8000, s1;
	[dreg:$0x8] =	wrdreg s22  }
0xb: {  	s24 =	sadd.s32 $0xA000, s1;
	[dreg:$0x9] =	wrdreg s23  }
0xc: {  	s25 =	sadd.s32 $0xC000, s1;
	[dreg:$0xa] =	wrdreg s24  }
0xd: {  	s26 =	sadd.s32 $0xE000, s1;
	[dreg:$0xb] =	wrdreg s25  }
0xe: {  	s28 =	sadd.s32 $0x10000, s1;
	[dreg:$0xc] =	wrdreg s26  }
0xf: {  	s29 =	sadd.s32 $0x12000, s1;
	[dreg:$0xd] =	wrdreg s28  }
0x10: {  	s30 =	sadd.s32 $0x14000, s1;
	[dreg:$0xe] =	wrdreg s29  }
0x11: {  	s31 =	sadd.s32 $0x16000, s1;
	[dreg:$0xf] =	wrdreg s30  }
0x12: {  	s3 =	sadd.s32 $0x18000, s1;
	[dreg:$0x10] =	wrdreg s31  }
0x13: {  	s4 =	sadd.s32 $0x1A000, s1;
	[dreg:$0x11] =	wrdreg s3  }
0x14: {  	s5 =	sadd.s32 $0x1C000, s1;
	[dreg:$0x12] =	wrdreg s4  }
0x15: {  	s8 =	sadd.s32 $0x1E000, s1;
	[dreg:$0x13] =	wrdreg s5  }
0x16: {  	s9 =	sadd.s32 $0x20000, s1;
	[dreg:$0x14] =	wrdreg s8  }
0x17: {  	s10 =	sadd.s32 $0x22000, s1;
	[dreg:$0x15] =	wrdreg s9  }
0x18: {  	s11 =	sadd.s32 $0x24000, s1;
	[dreg:$0x16] =	wrdreg s10  }
0x19: {  	s12 =	sadd.s32 $0x26000, s1;
	[dreg:$0x17] =	wrdreg s11  }
0x1a: {  	s13 =	sadd.s32 $0x28000, s1;
	[dreg:$0x18] =	wrdreg s12  }
0x1b: {  	s14 =	sadd.s32 $0x2A000, s1;
	[dreg:$0x19] =	wrdreg s13  }
0x1c: {  	s15 =	sadd.s32 $0x2C000, s1;
	[dreg:$0x1a] =	wrdreg s14  }
0x1d: {  	s16 =	sadd.s32 $0x2E000, s1;
	[dreg:$0x1b] =	wrdreg s15  }
0x1e: {  	s17 =	sadd.s32 $0x30000, s1;
	[dreg:$0x1c] =	wrdreg s16  }
0x1f: {  	s18 =	sadd.s32 $0x32000, s1;
	[dreg:$0x1d] =	wrdreg s17  }
0x20: {  	s19 =	sadd.s32 $0x34000, s1;
	[dreg:$0x1e] =	wrdreg s18  }
0x21: {  	s20 =	sadd.s32 $0x36000, s1;
	[dreg:$0x1f] =	wrdreg s19  }
0x22: {  	[smem:$0x7EF] =	sst s20;
	s21 =	sadd.s32 $0x38000, s1  }
0x23: {  	s22 =	sadd.s32 $0x3A000, s1;
	[smem:$0x7F0] =	sst s21  }
0x24: {  	s23 =	sadd.s32 $0x3C000, s1;
	[smem:$0x7F1] =	sst s22  }
0x25: {  	s24 =	sadd.s32 $0x3E000, s1;
	[smem:$0x7F2] =	sst s23  }
0x26: {  	p0 =	sne.s32 s0, $0x0;
	s25 =	simm.s32 $0x16940;
	[smem:$0x7F4] =	sst s24  }
0x27: {  	s6 =	ssub.s32 $0x2, s6;
	s26 =	simm.s32 $0x5400;
	[smem:$0x7F5] =	sst s25  }
0x28: {  	s28 =	sshrl.u32 s6, $0x1;
	s29 =	simm.s32 $0xA800;
	[smem:$0x7F6] =	sst s26  }
0x29: {  	v0 =	vimm.s32 $0xECA86420;
	v1 =	vlaneseq.u32;
	vm0 =	vmmov $0xff;
	s9 =	sadd.s32 $0x5400, s2;
	s30 =	simm.s32 $0xFC00;
	[smem:$0x7F7] =	sst s29  }
0x2a: {  	v2 =	vimm.s32 $0x0;
	vm1 =	vcmask $0xB08;
	vm2 =	vcmask $0x1310;
	s31 =	simm.s32 $0x15000;
	s10 =	sadd.s32 $0xA800, s2;
	[smem:$0x7F8] =	sst s30  }
0x2b: {  	vm4 =	vcmask $0x300;
	vm10 =	vcmask $0x704;
	vm11 =	vcmask $0xF0C;
	s8 =	simm.s32 $0x2;
	[smem:$0x7F9] =	sst s31;
	s7 =	sshrl.u32 @!p0 s9, $0x3  }
0x2c: {  	vm5 =	vcmask $0x2320;
	vm12 =	vcmask $0x1714;
	vm6 =	vcmask $0x2B28;
	s9 =	sadd.s32 $0xFC00, s2;
	[smem:$0x7FA] =	sst s7;
	s7 =	sshrl.u32 @!p0 s10, $0x3  }
0x2d: {  	vm7 =	vcmask $0x3330;
	vm13 =	vcmask $0x1F1C;
	v0 =	vunpack.c.l.s4.s8 v0;
	s10 =	sadd.s32 $0x15000, s2;
	[smem:$0x7FB] =	sst s7;
	s7 =	sshrl.u32 @!p0 s9, $0x3  }
0x2e: {  	vm8 =	vcmask $0x3B38;
	vm14 =	vcmask $0x2724;
	v2 =	vsel vm0, $0xFFFFFFFF, v2;
	s6 =	ssub.s32 s6, s28;
	[smem:$0x7FC] =	sst s7;
	s7 =	sshrl.u32 @!p0 s10, $0x3  }
0x2f: {  	vm15 =	vcmask $0x2F2C;
	v1 =	vmul.u32 $0x2, v1;
	[tilespmem:$0x1FFF0] =	vst v2;
	v0 =	vunpack.c.0.s8.s32 v0;
	s0 =	smax.u32 s6, $0x1;
	s9 =	simm.s32 $0x1;
	[smem:$0x7FD] =	sst s7  }
.LBB2_1:
0x30: {  	[smem:$0x7EE] =	sst s0  }
0x31: {  	s10 =	rddreg [dreg:$0x5]  }
0x32: {  	s11 =	sld [smem:$0x7F5]  }
0x33: {  	s18 =	sld [smem:$0x7F6]  }
0x34: {  	s1 =	simm.s32 $0x0;
	s0 =	rddreg [dreg:$0x1]  }
0x35: {  	[tilespmem:s11], [sflag:$0x3] =	stream.linear.gather [hbm4b:s10+s1], $0x20, $0x38;
	[tilespmem:$0x169C0] =	vst v63  }
0x36: {  	s19 =	sld [smem:$0x7F7]  }
0x37: {  	[tilespmem:s1], [sflag:$0x3] =	stream.linear.gather [hbm4b:s0+s1], $0x5400, $0x38;
	[tilespmem:$0x169C0] =	vst v63  }
0x38: {  	s20 =	sld [smem:$0x7F8]  }
0x39: {  	[tilespmem:s18], [sflag:$0x3] =	stream.linear.gather [hbm4b:s0+s1], $0x5400, $0x38;
	[tilespmem:$0x169C0] =	vst v63  }
0x3a: {  	s21 =	sld [smem:$0x7F9]  }
0x3b: {  	[tilespmem:s19], [sflag:$0x3] =	stream.linear.gather [hbm4b:s0+s1], $0x5400, $0x38;
	[tilespmem:$0x169C0] =	vst v63  }
0x3c: {  	s4 =	rddreg [dreg:$0x3]  }
0x3d: {  	[tilespmem:s20], [sflag:$0x3] =	stream.linear.gather [hbm4b:s0+s1], $0x5400, $0x38;
	[tilespmem:$0x169C0] =	vst v63  }
0x3e: {  	s10 =	sshrl.u32 @!p0 s4, $0x3;
	s11 =	simm.s32 @!p0 $0x1C03  }
0x3f: {  	[tilespmem:s21], [sflag:$0x3] =	stream.linear.gather [hbm4b:s0+s1], $0x400, $0x38;
	[tilespmem:$0x169C0] =	vst v63  }
0x40: {  	[spmem:s10], [sflag:s11] =	dma.local @!p0 [hbm:s0], $0xA80  }
0x41: {  	s10 =	sld [smem:$0x7FA];
	_ =	sdelay $0x2  }
0x42: {  	[spmem:s10], [sflag:s11] =	dma.local @!p0 [hbm:s0], $0xA80  }
0x43: {  	s10 =	sld [smem:$0x7FB];
	_ =	sdelay $0x2  }
0x44: {  	[spmem:s10], [sflag:s11] =	dma.local @!p0 [hbm:s0], $0xA80  }
0x45: {  	s10 =	sld [smem:$0x7FC];
	_ =	sdelay $0x2  }
0x46: {  	[spmem:s10], [sflag:s11] =	dma.local @!p0 [hbm:s0], $0xA80  }
0x47: {  	s10 =	sld [smem:$0x7FD];
	_ =	sdelay $0x2  }
0x48: {  	[spmem:s10], [sflag:s11] =	dma.local @!p0 [hbm:s0], $0x80  }
0x49: {  	s10 =	simm.s32 @!p0 $0x3  }
0x4a: {  	_ =	swait.ge @!p0 [sflag:s10], $0xA80  }
0x4b: {  	[sflag:s10] =	ssyncset.done @!p0 $0x0  }
0x4c: {  	[sflag:s10] =	ssyncadd.s32 @!p0 $0xFFFFF580  }
0x4d: {  	_ =	swait.ge @!p0 [sflag:s10], $0xA80  }
0x4e: {  	[sflag:s10] =	ssyncset.done @!p0 $0x0  }
0x4f: {  	[sflag:s10] =	ssyncadd.s32 @!p0 $0xFFFFF580  }
0x50: {  	_ =	swait.ge @!p0 [sflag:s10], $0xA80  }
0x51: {  	[sflag:s10] =	ssyncset.done @!p0 $0x0  }
0x52: {  	[sflag:s10] =	ssyncadd.s32 @!p0 $0xFFFFF580  }
0x53: {  	_ =	swait.ge @!p0 [sflag:s10], $0xA80  }
0x54: {  	[sflag:s10] =	ssyncset.done @!p0 $0x0  }
0x55: {  	[sflag:s10] =	ssyncadd.s32 @!p0 $0xFFFFF580  }
0x56: {  	_ =	swait.ge @!p0 [sflag:s10], $0x80  }
0x57: {  	[sflag:s10] =	ssyncset.done @!p0 $0x0  }
0x58: {  	s22 =	simm.s32 $0x3;
	[sflag:s10] =	ssyncadd.s32 @!p0 $0xFFFFFF80  }
0x59: {  	_ =	swait.ge [sflag:s22], $0x20  }
0x5a: {  	[sflag:s22] =	ssyncset.done $0x0  }
0x5b: {  	[sflag:s22] =	ssyncadd.s32 $0xFFFFFFE0  }
0x5c: {  	_ =	swait.ge [sflag:s22], $0x5400  }
0x5d: {  	[sflag:s22] =	ssyncset.done $0x0  }
0x5e: {  	[sflag:s22] =	ssyncadd.s32 $0xFFFFAC00  }
0x5f: {  	_ =	swait.ge [sflag:s22], $0x5400  }
0x60: {  	[sflag:s22] =	ssyncset.done $0x0  }
0x61: {  	[sflag:s22] =	ssyncadd.s32 $0xFFFFAC00  }
0x62: {  	_ =	swait.ge [sflag:s22], $0x5400  }
0x63: {  	[sflag:s22] =	ssyncset.done $0x0  }
0x64: {  	[sflag:s22] =	ssyncadd.s32 $0xFFFFAC00  }
0x65: {  	_ =	swait.ge [sflag:s22], $0x5400  }
0x66: {  	[sflag:s22] =	ssyncset.done $0x0  }
0x67: {  	[sflag:s22] =	ssyncadd.s32 $0xFFFFAC00  }
0x68: {  	_ =	swait.ge [sflag:s22], $0x400  }
0x69: {  	[sflag:s22] =	ssyncset.done $0x0  }
0x6a: {  	[sflag:s22] =	ssyncadd.s32 $0xFFFFFC00  }
0x6b: {  	[bflag:$0x0] =	sbarrier.arrive $0xFFFF  }
0x6c: {  	v3 =	vld [tilespmem:$0x16940];
	_ =	sdelay $0x4  }
0x6d: {  	(v2sf) =	vpush v3, $0xD;
	_ =	sdelay $0x1  }
0x6e: {  	(v2sf) =	vpush v3, $0xC;
	_ =	sdelay $0x1  }
0x6f: {  	(v2sf) =	vpush v3, $0xE;
	_ =	sdelay $0x1  }
0x70: {  	(v2sf) =	vpush v3, $0xF;
	_ =	sdelay $0x1  }
0x71: {  	(v2sf) =	vpush v3, $0x9;
	_ =	sdelay $0x1  }
0x72: {  	(v2sf) =	vpush v3, $0x8;
	_ =	sdelay $0x1  }
0x73: {  	(v2sf) =	vpush v3, $0xA;
	_ =	sdelay $0x1  }
0x74: {  	(v2sf) =	vpush v3, $0xB  }
0x75: {  	s23 =	spop (v2sf)  }
0x76: {  	(v2sf) =	vpush v3, $0x0;
	s24 =	smulhi.u32 $0x30C30C31, s23;
	s10 =	sshra.s32 s23, $0x1F  }
0x77: {  	s12 =	spop (v2sf);
	(v2sf) =	vpush v3, $0x1;
	s10 =	smul.u32 $0x30C30C31, s10  }
0x78: {  	s13 =	smulhi.u32 $0x30C30C31, s12;
	s12 =	sshra.s32 s12, $0x1F;
	(v2sf) =	vpush v3, $0x2  }
0x79: {  	s14 =	spop (v2sf);
	s12 =	smul.u32 $0x30C30C31, s12;
	(v2sf) =	vpush v3, $0x3  }
0x7a: {  	s15 =	smulhi.u32 $0x30C30C31, s14;
	s14 =	sshra.s32 s14, $0x1F;
	(v2sf) =	vpush v3, $0x4  }
0x7b: {  	s16 =	spop (v2sf);
	s14 =	smul.u32 $0x30C30C31, s14;
	(v2sf) =	vpush v3, $0x5  }
0x7c: {  	s17 =	smulhi.u32 $0x30C30C31, s16;
	s16 =	sshra.s32 s16, $0x1F;
	(v2sf) =	vpush v3, $0x6  }
0x7d: {  	s10 =	sadd.s32 s10, s24;
	s25 =	spop (v2sf);
	s16 =	smul.u32 $0x30C30C31, s16;
	(v2sf) =	vpush v3, $0x7  }
0x7e: {  	s19 =	sshrl.u32 s10, $0x1F;
	s18 =	smulhi.u32 $0x30C30C31, s25;
	s11 =	sshra.s32 s25, $0x1F  }
0x7f: {  	s13 =	sadd.s32 s12, s13;
	s26 =	spop (v2sf);
	s20 =	smul.u32 $0x30C30C31, s11  }
0x80: {  	s21 =	sshrl.u32 s13, $0x1F;
	s22 =	smulhi.u32 $0x30C30C31, s26;
	s28 =	sshra.s32 s26, $0x1F  }
0x81: {  	s11 =	sadd.s32 s14, s15;
	s31 =	spop (v2sf);
	s29 =	smul.u32 $0x30C30C31, s28  }
0x82: {  	s23 =	sshrl.u32 s11, $0x1F;
	s24 =	smulhi.u32 $0x30C30C31, s31;
	s0 =	sshra.s32 s31, $0x1F  }
0x83: {  	s12 =	sadd.s32 s16, s17;
	s5 =	spop (v2sf);
	s1 =	smul.u32 $0x30C30C31, s0  }
0x84: {  	s25 =	sshrl.u32 s12, $0x1F;
	s6 =	smulhi.u32 $0x30C30C31, s5;
	s26 =	sshra.s32 s5, $0x1F  }
0x85: {  	s14 =	sadd.s32 s20, s18;
	s7 =	smul.u32 $0x30C30C31, s26;
	s30 =	spop (v2sf)  }
0x86: {  	s28 =	smulhi.u32 $0x30C30C31, s30;
	s20 =	sshra.s32 s30, $0x1F;
	s31 =	spop (v2sf)  }
0x87: {  	s15 =	sadd.s32 s29, s22;
	s20 =	smul.u32 $0x30C30C31, s20;
	s30 =	spop (v2sf)  }
0x88: {  	s16 =	sadd.s32 s1, s24;
	s29 =	smulhi.u32 $0x30C30C31, s31;
	s0 =	spop (v2sf)  }
0x89: {  	s2 =	smulhi.u32 $0x30C30C31, s30;
	s30 =	sshra.s32 s30, $0x1F;
	s3 =	spop (v2sf)  }
0x8a: {  	s22 =	sshra.s32 s31, $0x1F;
	s24 =	smul.u32 $0x30C30C31, s30;
	s30 =	spop (v2sf)  }
0x8b: {  	s5 =	smulhi.u32 $0x30C30C31, s0;
	s1 =	sshra.s32 s0, $0x1F;
	s0 =	spop (v2sf)  }
0x8c: {  	s17 =	sadd.s32 s7, s6;
	s22 =	smul.u32 $0x30C30C31, s22;
	s6 =	spop (v2sf)  }
0x8d: {  	s31 =	sshrl.u32 s15, $0x1F;
	s7 =	smulhi.u32 $0x30C30C31, s6;
	s18 =	sshra.s32 s6, $0x1F  }
0x8e: {  	v2 =	vmov s21;
	s26 =	sshrl.u32 s14, $0x1F;
	v6 =	vmov s31;
	s20 =	sadd.s32 s20, s28;
	s18 =	smul.u32 $0x30C30C31, s18  }
0x8f: {  	v2 =	vsel vm1, s19, v2;
	v6 =	vsel vm1, s26, v6;
	s1 =	smul.u32 $0x30C30C31, s1;
	s22 =	sadd.s32 s22, s29;
	s29 =	sshrl.u32 s16, $0x1F  }
0x90: {  	vm0 =	vcmask $0x1B18;
	v2 =	vsel vm2, s23, v2;
	s2 =	sadd.s32 s24, s2;
	s24 =	sshrl.u32 s17, $0x1F;
	v6 =	vsel vm2, s29, v6;
	s18 =	sadd.s32 s18, s7  }
0x91: {  	v2 =	vsel vm0, s25, v2;
	s19 =	smulhi.u32 $0x30C30C31, s3;
	s3 =	sshra.s32 s3, $0x1F;
	v6 =	vsel vm0, s24, v6;
	s28 =	sshra.s32 s18, $0x1F  }
0x92: {  	s3 =	smul.u32 $0x30C30C31, s3;
	s6 =	sshrl.u32 s20, $0x1F;
	v2 =	vcombine.low v6, v2;
	s7 =	sshra.s32 s20, $0x5;
	v4 =	vmov s28  }
0x93: {  	s31 =	sshra.s32 s22, $0x5;
	s1 =	sadd.s32 s1, s5;
	v5 =	vmov s6;
	s20 =	sshra.s32 s20, $0x1F;
	v4 =	vsel vm4, s7, v4  }
0x94: {  	s5 =	sshrl.u32 s22, $0x1F;
	s23 =	sshrl.u32 s2, $0x1F;
	s22 =	sshra.s32 s22, $0x1F;
	v5 =	vnsel vm4, $0x0, v5;
	v6 =	vperm.xlane v2, v0;
	v2 =	vld [tilespmem:$0x16950];
	v4 =	vsel vm10, s20, v4  }
0x95: {  	s3 =	sadd.s32 s3, s19;
	s6 =	smulhi.u32 $0x30C30C31, s30;
	v5 =	vsel vm1, s5, v5;
	s28 =	sshra.s32 s30, $0x1F;
	v4 =	vsel vm1, s31, v4  }
0x96: {  	s29 =	sshra.s32 s1, $0x5;
	v5 =	vsel vm2, s23, v5;
	s23 =	sshra.s32 s2, $0x5;
	s25 =	smul.u32 $0x30C30C31, s28;
	v4 =	vsel vm11, s22, v4  }
0x97: {  	s2 =	sshra.s32 s2, $0x1F;
	s7 =	smulhi.u32 $0x30C30C31, s0;
	s0 =	sshra.s32 s0, $0x1F;
	v4 =	vsel vm2, s23, v4  }
0x98: {  	vm3 =	vcmask $0x3734;
	s26 =	sshrl.u32 s3, $0x1F;
	s30 =	sshrl.u32 s1, $0x1F;
	s0 =	smul.u32 $0x30C30C31, s0;
	v4 =	vsel vm12, s2, v4  }
0x99: {  	s1 =	sshra.s32 s1, $0x1F;
	v5 =	vsel vm0, s30, v5;
	(v2sf) =	vpush v2, $0xD;
	s6 =	sadd.s32 s25, s6;
	s31 =	sshra.s32 s13, $0x5;
	v4 =	vsel vm0, s29, v4  }
0x9a: {  	v5 =	vsel vm5, s26, v5;
	s13 =	sshra.s32 s15, $0x5;
	(v2sf) =	vpush v2, $0xC;
	s0 =	sadd.s32 s0, s7;
	s7 =	sshra.s32 s3, $0x5;
	v4 =	vsel vm13, s1, v4  }
0x9b: {  	s10 =	sshra.s32 s10, $0x5;
	s15 =	sshra.s32 s3, $0x1F;
	s28 =	sshrl.u32 s6, $0x1F;
	v7 =	vmov s31;
	v8 =	vmov s13;
	v4 =	vsel vm5, s7, v4  }
0x9c: {  	s20 =	sshra.s32 s14, $0x5;
	s21 =	sshra.s32 s6, $0x5;
	v5 =	vsel vm6, s28, v5;
	s5 =	sshrl.u32 s0, $0x1F;
	v7 =	vsel vm1, s10, v7;
	v4 =	vsel vm14, s15, v4  }
0x9d: {  	s19 =	sshra.s32 s11, $0x5;
	s24 =	sshra.s32 s6, $0x1F;
	v8 =	vsel vm1, s20, v8;
	s23 =	sshra.s32 s16, $0x5;
	v5 =	vsel vm7, s5, v5;
	v4 =	vsel vm6, s21, v4  }
0x9e: {  	v53 =	vld [tilespmem:$0x1FFF0];
	s25 =	sshra.s32 s17, $0x5;
	s22 =	sshra.s32 s12, $0x5;
	s26 =	sshra.s32 s0, $0x5;
	v7 =	vsel vm2, s19, v7;
	v8 =	vsel vm2, s23, v8;
	v4 =	vsel vm15, s24, v4  }
0x9f: {  	s30 =	sshrl.u32 s18, $0x1F;
	s0 =	sshra.s32 s0, $0x1F;
	v7 =	vsel vm0, s22, v7;
	v8 =	vsel vm0, s25, v8;
	v4 =	vsel vm7, s26, v4  }
0xa0: {  	s28 =	sshra.s32 s18, $0x5;
	v5 =	vsel vm8, s30, v5;
	v7 =	vcombine.low v8, v7;
	v4 =	vsel vm3, s0, v4  }
0xa1: {  	(v2sf) =	vpush v2, $0xE;
	v5 =	vperm.xlane v5, v1;
	v4 =	vsel vm8, s28, v4  }
0xa2: {  	(v2sf) =	vpush v2, $0xF;
	v7 =	vperm.xlane v7, v0;
	v4 =	vperm.xlane v4, v1  }
0xa3: {  	(v2sf) =	vpush v2, $0x9;
	vm3 =	vnez.u8 v53  }
0xa4: {  	(v2sf) =	vpush v2, $0x8;
	v5 =	vsel vm3, v5, v6;
	v4 =	vsel vm3, v4, v7  }
0xa5: {  	(v2sf) =	vpush v2, $0xA;
	v4 =	vadd.s32 v5, v4  }
0xa6: {  	(v2sf) =	vpush v2, $0xB;
	v4 =	vmul.u32 $0xA8, v4  }
0xa7: {  	(v2sf) =	vpush v2, $0x0  }
0xa8: {  	(v2sf) =	vpush v2, $0x1;
	v3 =	vsub.s32 v3, v4  }
0xa9: {  	(v2sf) =	vpush v2, $0x2;
	vm9 =	vlt.s32 v3, $0x0;
	v4 =	vadd.s32 $0xA8, v3  }
0xaa: {  	(v2sf) =	vpush v2, $0x3;
	v3 =	vsel vm9, v4, v3  }
0xab: {  	(v2sf) =	vpush v2, $0x4;
	v3 =	vshll.u32 v3, $0x9  }
0xac: {  	(v2sf) =	vpush v2, $0x5;
	v3 =	vshra.s32 v3, $0x2  }
0xad: {  	(v2sf) =	vpush v2, $0x6;
	v54 =	vadd.s32 s4, v3  }
0xae: {  	s29 =	spop (v2sf);
	(v2sf) =	vpush v2, $0x7;
	v4 =	vshrl.u32 v54, $0x3  }
0xaf: {  	s30 =	spop (v2sf);
	(v2sf) =	vpush v4, $0x0  }
0xb0: {  	s31 =	spop (v2sf)  }
0xb1: {  	s22 =	spop (v2sf)  }
0xb2: {  	s21 =	spop (v2sf)  }
0xb3: {  	s4 =	spop (v2sf)  }
0xb4: {  	s20 =	spop (v2sf)  }
0xb5: {  	s18 =	spop (v2sf)  }
0xb6: {  	s17 =	spop (v2sf)  }
0xb7: {  	s16 =	spop (v2sf)  }
0xb8: {  	s19 =	spop (v2sf)  }
0xb9: {  	s15 =	spop (v2sf)  }
0xba: {  	s13 =	spop (v2sf)  }
0xbb: {  	s6 =	stileid.u32;
	s12 =	spop (v2sf)  }
0xbc: {  	s28 =	sld [smem:$0x7F3];
	s11 =	spop (v2sf)  }
0xbd: {  	s0 =	sshll.u32 s6, $0x6;
	s14 =	spop (v2sf)  }
0xbe: {  	s10 =	sor.u32 $0x1C02, s0;
	s7 =	spop (v2sf)  }
0xbf: {  	[hbm:s28], [sflag:s10] =	dma.local [spmem:s7], $0x2000  }
0xc0: {  	(v2sf) =	vpush v4, $0x1;
	_ =	sdelay $0xe  }
0xc1: {  	s0 =	rddreg [dreg:$0x6];
	s1 =	spop (v2sf)  }
0xc2: {  	[hbm:s0], [sflag:s10] =	dma.local [spmem:s1], $0x2000  }
0xc3: {  	(v2sf) =	vpush v4, $0x2;
	_ =	sdelay $0xe  }
0xc4: {  	s0 =	rddreg [dreg:$0x7];
	s1 =	spop (v2sf)  }
0xc5: {  	[hbm:s0], [sflag:s10] =	dma.local [spmem:s1], $0x2000  }
0xc6: {  	(v2sf) =	vpush v4, $0x3;
	_ =	sdelay $0xe  }
0xc7: {  	s0 =	rddreg [dreg:$0x8];
	s1 =	spop (v2sf)  }
0xc8: {  	[hbm:s0], [sflag:s10] =	dma.local [spmem:s1], $0x2000  }
0xc9: {  	(v2sf) =	vpush v4, $0x4;
	_ =	sdelay $0xe  }
0xca: {  	s0 =	rddreg [dreg:$0x9];
	s1 =	spop (v2sf)  }
0xcb: {  	[hbm:s0], [sflag:s10] =	dma.local [spmem:s1], $0x2000  }
0xcc: {  	(v2sf) =	vpush v4, $0x5;
	_ =	sdelay $0xe  }
0xcd: {  	s0 =	rddreg [dreg:$0xa];
	s1 =	spop (v2sf)  }
0xce: {  	[hbm:s0], [sflag:s10] =	dma.local [spmem:s1], $0x2000  }
0xcf: {  	(v2sf) =	vpush v4, $0x6;
	_ =	sdelay $0xe  }
0xd0: {  	s0 =	rddreg [dreg:$0xb];
	s1 =	spop (v2sf)  }
0xd1: {  	[hbm:s0], [sflag:s10] =	dma.local [spmem:s1], $0x2000  }
0xd2: {  	(v2sf) =	vpush v4, $0x7;
	_ =	sdelay $0xe  }
0xd3: {  	s0 =	rddreg [dreg:$0xc];
	s1 =	spop (v2sf)  }
0xd4: {  	[hbm:s0], [sflag:s10] =	dma.local [spmem:s1], $0x2000  }
0xd5: {  	(v2sf) =	vpush v4, $0x8;
	_ =	sdelay $0xe  }
0xd6: {  	s0 =	rddreg [dreg:$0xd];
	s1 =	spop (v2sf)  }
0xd7: {  	[hbm:s0], [sflag:s10] =	dma.local [spmem:s1], $0x2000  }
0xd8: {  	(v2sf) =	vpush v4, $0x9;
	_ =	sdelay $0xe  }
0xd9: {  	s0 =	rddreg [dreg:$0xe];
	s1 =	spop (v2sf)  }
0xda: {  	[hbm:s0], [sflag:s10] =	dma.local [spmem:s1], $0x2000  }
0xdb: {  	(v2sf) =	vpush v4, $0xA;
	_ =	sdelay $0xe  }
0xdc: {  	s0 =	rddreg [dreg:$0xf];
	s1 =	spop (v2sf)  }
0xdd: {  	[hbm:s0], [sflag:s10] =	dma.local [spmem:s1], $0x2000  }
0xde: {  	(v2sf) =	vpush v4, $0xB;
	_ =	sdelay $0xc  }
0xdf: {  	s2 =	smulhi.u32 $0x30C30C31, s30;
	s30 =	sshra.s32 s30, $0x1F  }
0xe0: {  	s3 =	smul.u32 $0x30C30C31, s30  }
0xe1: {  	s0 =	rddreg [dreg:$0x10];
	s1 =	spop (v2sf)  }
0xe2: {  	[hbm:s0], [sflag:s10] =	dma.local [spmem:s1], $0x2000  }
0xe3: {  	s5 =	smulhi.u32 $0x30C30C31, s31;
	s31 =	sshra.s32 s31, $0x1F;
	(v2sf) =	vpush v4, $0xC  }
0xe4: {  	s6 =	smul.u32 $0x30C30C31, s31  }
0xe5: {  	s24 =	smulhi.u32 $0x30C30C31, s22;
	s23 =	sshra.s32 s22, $0x1F  }
0xe6: {  	s23 =	smul.u32 $0x30C30C31, s23  }
0xe7: {  	s25 =	smulhi.u32 $0x30C30C31, s21;
	s22 =	sshra.s32 s21, $0x1F  }
0xe8: {  	s22 =	smul.u32 $0x30C30C31, s22  }
0xe9: {  	s26 =	smulhi.u32 $0x30C30C31, s4  }
0xea: {  	s21 =	sshra.s32 s4, $0x1F;
	s31 =	smulhi.u32 $0x30C30C31, s18  }
0xeb: {  	s28 =	smul.u32 $0x30C30C31, s21  }
0xec: {  	s0 =	smulhi.u32 $0x30C30C31, s29;
	s29 =	sshra.s32 s29, $0x1F  }
0xed: {  	s1 =	smul.u32 $0x30C30C31, s29  }
0xee: {  	s29 =	smulhi.u32 $0x30C30C31, s20;
	s20 =	sshra.s32 s20, $0x1F  }
0xef: {  	s30 =	smul.u32 $0x30C30C31, s20  }
0xf0: {  	s21 =	sshra.s32 s16, $0x1F;
	s20 =	sadd.s32 s3, s2;
	s2 =	smulhi.u32 $0x30C30C31, s16  }
0xf1: {  	s18 =	sshra.s32 s18, $0x1F;
	s4 =	rddreg [dreg:$0x11];
	s3 =	smul.u32 $0x30C30C31, s21  }
0xf2: {  	s21 =	sadd.s32 s22, s25;
	s25 =	smulhi.u32 $0x30C30C31, s15;
	s7 =	spop (v2sf)  }
0xf3: {  	[hbm:s4], [sflag:s10] =	dma.local [spmem:s7], $0x2000  }
0xf4: {  	s7 =	smul.u32 $0x30C30C31, s18  }
0xf5: {  	s18 =	sadd.s32 s1, s0;
	s0 =	smulhi.u32 $0x30C30C31, s17;
	s17 =	sshra.s32 s17, $0x1F  }
0xf6: {  	s16 =	sadd.s32 s23, s24;
	s22 =	sadd.s32 s28, s26;
	s1 =	smul.u32 $0x30C30C31, s17  }
0xf7: {  	s17 =	sadd.s32 s6, s5;
	s6 =	smulhi.u32 $0x30C30C31, s19;
	s19 =	sshra.s32 s19, $0x1F  }
0xf8: {  	s24 =	smul.u32 $0x30C30C31, s19;
	s19 =	sadd.s32 s30, s29;
	s30 =	sshra.s32 s15, $0x1F  }
0xf9: {  	s28 =	sshrl.u32 s16, $0x1F;
	s15 =	sadd.s32 s7, s31;
	s7 =	smul.u32 $0x30C30C31, s30  }
0xfa: {  	s26 =	sshrl.u32 s21, $0x1F;
	s0 =	sadd.s32 s1, s0;
	s1 =	smulhi.u32 $0x30C30C31, s14  }
0xfb: {  	s5 =	sshrl.u32 s20, $0x1F;
	s14 =	sshra.s32 s14, $0x1F;
	s30 =	smulhi.u32 $0x30C30C31, s13  }
0xfc: {  	s2 =	sadd.s32 s3, s2;
	s4 =	sshrl.u32 s18, $0x1F;
	v55 =	vmov s5;
	s14 =	smul.u32 $0x30C30C31, s14  }
0xfd: {  	s23 =	sshrl.u32 s17, $0x1F;
	s13 =	sshra.s32 s13, $0x1F;
	v5 =	vsel vm1, s4, v55;
	s4 =	smulhi.u32 $0x30C30C31, s12  }
0xfe: {  	s12 =	sshra.s32 s12, $0x1F;
	s31 =	smul.u32 $0x30C30C31, s13;
	s13 =	sadd.s32 s14, s1  }
0xff: {  	s6 =	sadd.s32 s24, s6;
	s3 =	sadd.s32 s7, s25;
	s25 =	sshra.s32 s13, $0x1F  }
0x100: {  	s24 =	sshrl.u32 s22, $0x1F;
	s29 =	sshra.s32 s0, $0x5;
	s12 =	smul.u32 $0x30C30C31, s12;
	v56 =	vmov s25  }
0x101: {  	v5 =	vsel vm2, s23, v5;
	s5 =	sadd.s32 s31, s30;
	s30 =	sshrl.u32 s0, $0x1F;
	s0 =	sshra.s32 s0, $0x1F;
	v6 =	vsel vm4, s29, v56  }
0x102: {  	s23 =	sshra.s32 s2, $0x5;
	v5 =	vsel vm0, s28, v5;
	s28 =	smulhi.u32 $0x30C30C31, s11;
	s11 =	sshra.s32 s11, $0x1F;
	v57 =	vmov s30;
	v6 =	vsel vm10, s0, v6  }
0x103: {  	(v2sf) =	vpush v4, $0xD;
	s1 =	sshrl.u32 s19, $0x1F;
	s31 =	sshrl.u32 s2, $0x1F;
	s2 =	sshra.s32 s2, $0x1F;
	v7 =	vnsel vm4, $0x0, v57;
	v6 =	vsel vm1, s23, v6  }
0x104: {  	v58 =	vmov s24;
	s14 =	sshrl.u32 s15, $0x1F;
	s25 =	sshrl.u32 s6, $0x1F;
	v7 =	vsel vm1, s31, v7;
	s29 =	sshra.s32 s6, $0x5;
	v6 =	vsel vm11, s2, v6  }
0x105: {  	v8 =	vsel vm1, s26, v58;
	s30 =	sshrl.u32 s3, $0x1F;
	s31 =	smul.u32 $0x30C30C31, s11;
	s6 =	sshra.s32 s6, $0x1F;
	v7 =	vsel vm2, s25, v7;
	v6 =	vsel vm2, s29, v6  }
0x106: {  	v59 =	vsel vm2, s1, v8;
	s11 =	sshrl.u32 s5, $0x1F;
	s0 =	sadd.s32 s12, s4;
	s12 =	sshra.s32 s3, $0x5;
	v7 =	vsel vm0, s30, v7;
	v6 =	vsel vm12, s6, v6  }
0x107: {  	v4 =	vsel vm0, s14, v59;
	s3 =	sshra.s32 s3, $0x1F;
	s23 =	sadd.s32 s31, s28;
	s24 =	sshrl.u32 s0, $0x1F;
	v7 =	vsel vm5, s11, v7;
	v6 =	vsel vm0, s12, v6  }
0x108: {  	s26 =	sshra.s32 s5, $0x5;
	v4 =	vcombine.low v4, v5;
	s28 =	sshra.s32 s20, $0x5;
	s25 =	sshrl.u32 s23, $0x1F;
	v7 =	vsel vm6, s24, v7;
	v6 =	vsel vm13, s3, v6  }
0x109: {  	s30 =	sshra.s32 s5, $0x1F;
	s31 =	sshra.s32 s18, $0x5;
	v61 =	vmov s28;
	s29 =	sshra.s32 s22, $0x5;
	v60 =	vsel vm7, s25, v7;
	v6 =	vsel vm5, s26, v6  }
0x10a: {  	s7 =	sshra.s32 s0, $0x5;
	s11 =	sshra.s32 s17, $0x5;
	s6 =	sshra.s32 s21, $0x5;
	v62 =	vmov s29;
	v7 =	vsel vm1, s31, v61;
	v6 =	vsel vm14, s30, v6  }
0x10b: {  	s14 =	sshra.s32 s16, $0x5;
	s0 =	sshra.s32 s0, $0x1F;
	v8 =	vsel vm1, s6, v62;
	s12 =	sshra.s32 s19, $0x5;
	v7 =	vsel vm2, s11, v7;
	v6 =	vsel vm6, s7, v6  }
0x10c: {  	s15 =	sshra.s32 s15, $0x5;
	s16 =	sshra.s32 s23, $0x5;
	v8 =	vsel vm2, s12, v8;
	v7 =	vsel vm0, s14, v7;
	v6 =	vsel vm15, s0, v6  }
0x10d: {  	s17 =	sshrl.u32 s13, $0x1F;
	s18 =	sshra.s32 s23, $0x1F;
	v8 =	vsel vm0, s15, v8;
	vm0 =	vcmask $0x3734;
	v6 =	vsel vm7, s16, v6  }
0x10e: {  	v5 =	vsel vm8, s17, v60;
	s19 =	sshra.s32 s13, $0x5;
	v7 =	vcombine.low v8, v7;
	v6 =	vsel vm0, s18, v6  }
0x10f: {  	v4 =	vperm.xlane v4, v0;
	v5 =	vperm.xlane v5, v1;
	v6 =	vsel vm8, s19, v6  }
0x110: {  	v7 =	vperm.xlane v7, v0;
	v6 =	vperm.xlane v6, v1;
	_ =	sdelay $0x1  }
0x111: {  	v4 =	vsel vm3, v5, v4;
	v63 =	vsel vm3, v6, v7  }
0x112: {  	v4 =	vadd.s32 v4, v63  }
0x113: {  	v4 =	vmul.u32 $0xA8, v4  }
0x114: {  	s20 =	rddreg [dreg:$0x12];
	s21 =	spop (v2sf)  }
0x115: {  	[hbm:s20], [sflag:s10] =	dma.local [spmem:s21], $0x2000;
	v2 =	vsub.s32 v2, v4  }
0x116: {  	(v2sf) =	vpush v3, $0xE;
	vm9 =	vlt.s32 v2, $0x0;
	v4 =	vadd.s32 $0xA8, v2  }
0x117: {  	v2 =	vsel vm9, v4, v2  }
0x118: {  	(v2sf) =	vpush v3, $0xF;
	v2 =	vshll.u32 v2, $0x9  }
0x119: {  	v2 =	vshra.s32 v2, $0x2  }
0x11a: {  	(v2sf) =	vpush v2, $0x0;
	_ =	sdelay $0x1  }
0x11b: {  	(v2sf) =	vpush v2, $0x1;
	_ =	sdelay $0x1  }
0x11c: {  	(v2sf) =	vpush v2, $0x2;
	_ =	sdelay $0x1  }
0x11d: {  	(v2sf) =	vpush v2, $0x3;
	_ =	sdelay $0x1  }
0x11e: {  	(v2sf) =	vpush v2, $0x4;
	_ =	sdelay $0x1  }
0x11f: {  	s22 =	rddreg [dreg:$0x14];
	(v2sf) =	vpush v2, $0x5  }
0x120: {  	s3 =	simm.s32 $0x0;
	s0 =	rddreg [dreg:$0x13];
	s1 =	spop (v2sf)  }
0x121: {  	[hbm4b:s0+s3] =	stream.linear.scatter [tilespmem:s1], [sflag:$0x1], $0x10000, $0x38;
	(v2sf) =	vpush v2, $0x6;
	[tilespmem:$0x169C0] =	vst v63  }
0x122: {  	s24 =	rddreg [dreg:$0x15];
	s23 =	spop (v2sf)  }
0x123: {  	[hbm4b:s22+s3] =	stream.linear.scatter [tilespmem:s23], [sflag:$0x1], $0x10000, $0x38;
	(v2sf) =	vpush v2, $0x7;
	[tilespmem:$0x169C0] =	vst v63  }
0x124: {  	s26 =	rddreg [dreg:$0x16];
	s25 =	spop (v2sf)  }
0x125: {  	(v2sf) =	vpush v2, $0x8;
	[hbm4b:s24+s3] =	stream.linear.scatter [tilespmem:s25], [sflag:$0x1], $0x10000, $0x38;
	[tilespmem:$0x169C0] =	vst v63  }
0x126: {  	s29 =	rddreg [dreg:$0x17];
	s28 =	spop (v2sf)  }
0x127: {  	(v2sf) =	vpush v2, $0x9;
	[hbm4b:s26+s3] =	stream.linear.scatter [tilespmem:s28], [sflag:$0x1], $0x10000, $0x38;
	[tilespmem:$0x169C0] =	vst v63  }
0x128: {  	s31 =	rddreg [dreg:$0x18];
	s30 =	spop (v2sf)  }
0x129: {  	(v2sf) =	vpush v2, $0xA;
	[hbm4b:s29+s3] =	stream.linear.scatter [tilespmem:s30], [sflag:$0x1], $0x10000, $0x38;
	[tilespmem:$0x169C0] =	vst v63  }
0x12a: {  	s4 =	rddreg [dreg:$0x19];
	s1 =	spop (v2sf)  }
0x12b: {  	(v2sf) =	vpush v2, $0xB;
	[hbm4b:s31+s3] =	stream.linear.scatter [tilespmem:s1], [sflag:$0x1], $0x10000, $0x38;
	[tilespmem:$0x169C0] =	vst v63  }
0x12c: {  	s6 =	rddreg [dreg:$0x1a];
	s5 =	spop (v2sf)  }
0x12d: {  	(v2sf) =	vpush v2, $0xC;
	[hbm4b:s4+s3] =	stream.linear.scatter [tilespmem:s5], [sflag:$0x1], $0x10000, $0x38;
	[tilespmem:$0x169C0] =	vst v63  }
0x12e: {  	s10 =	rddreg [dreg:$0x1b];
	s7 =	spop (v2sf)  }
0x12f: {  	(v2sf) =	vpush v2, $0xD;
	[hbm4b:s6+s3] =	stream.linear.scatter [tilespmem:s7], [sflag:$0x1], $0x10000, $0x38;
	[tilespmem:$0x169C0] =	vst v63  }
0x130: {  	s12 =	rddreg [dreg:$0x1c];
	s11 =	spop (v2sf)  }
0x131: {  	(v2sf) =	vpush v2, $0xE;
	[hbm4b:s10+s3] =	stream.linear.scatter [tilespmem:s11], [sflag:$0x1], $0x10000, $0x38;
	[tilespmem:$0x169C0] =	vst v63  }
0x132: {  	s14 =	rddreg [dreg:$0x1d];
	s13 =	spop (v2sf)  }
0x133: {  	(v2sf) =	vpush v2, $0xF;
	[hbm4b:s12+s3] =	stream.linear.scatter [tilespmem:s13], [sflag:$0x1], $0x10000, $0x38;
	[tilespmem:$0x169C0] =	vst v63  }
0x134: {  	s20 =	sld [smem:$0x7EF];
	s15 =	spop (v2sf)  }
0x135: {  	[hbm4b:s14+s3] =	stream.linear.scatter [tilespmem:s15], [sflag:$0x1], $0x10000, $0x38;
	[tilespmem:$0x169C0] =	vst v63  }
0x136: {  	s16 =	rddreg [dreg:$0x1e];
	s17 =	spop (v2sf)  }
0x137: {  	[hbm4b:s16+s3] =	stream.linear.scatter [tilespmem:s17], [sflag:$0x1], $0x10000, $0x38;
	[tilespmem:$0x169C0] =	vst v63  }
0x138: {  	s18 =	rddreg [dreg:$0x1f];
	s19 =	spop (v2sf)  }
0x139: {  	[hbm4b:s18+s3] =	stream.linear.scatter [tilespmem:s19], [sflag:$0x1], $0x10000, $0x38;
	[tilespmem:$0x169C0] =	vst v63  }
0x13a: {  	s22 =	sld [smem:$0x7F0];
	s21 =	spop (v2sf)  }
0x13b: {  	[hbm4b:s20+s3] =	stream.linear.scatter [tilespmem:s21], [sflag:$0x1], $0x10000, $0x38;
	[tilespmem:$0x169C0] =	vst v63  }
0x13c: {  	s24 =	sld [smem:$0x7F1];
	s23 =	spop (v2sf)  }
0x13d: {  	[hbm4b:s22+s3] =	stream.linear.scatter [tilespmem:s23], [sflag:$0x1], $0x10000, $0x38;
	[tilespmem:$0x169C0] =	vst v63  }
0x13e: {  	s26 =	sld [smem:$0x7F2];
	s25 =	spop (v2sf)  }
0x13f: {  	[hbm4b:s24+s3] =	stream.linear.scatter [tilespmem:s25], [sflag:$0x1], $0x10000, $0x38;
	[tilespmem:$0x169C0] =	vst v63  }
0x140: {  	s29 =	sld [smem:$0x7F4];
	s28 =	spop (v2sf)  }
0x141: {  	[hbm4b:s26+s3] =	stream.linear.scatter [tilespmem:s28], [sflag:$0x1], $0x10000, $0x38;
	[tilespmem:$0x169C0] =	vst v63  }
0x142: {  	s30 =	spop (v2sf)  }
0x143: {  	[hbm4b:s29+s3] =	stream.linear.scatter [tilespmem:s30], [sflag:$0x1], $0x10000, $0x38;
	[tilespmem:$0x169C0] =	vst v63  }
0x144: {  	s31 =	sld [smem:$0x7EE];
	_ =	swait.ge [sflag:s8], $0x2000  }
0x145: {  	[sflag:s8] =	ssyncset.done $0x0  }
0x146: {  	[sflag:s8] =	ssyncadd.s32 $0xFFFFE000  }
0x147: {  	_ =	swait.ge [sflag:s8], $0x2000  }
0x148: {  	[sflag:s8] =	ssyncset.done $0x0  }
0x149: {  	[sflag:s8] =	ssyncadd.s32 $0xFFFFE000  }
0x14a: {  	_ =	swait.ge [sflag:s8], $0x2000  }
0x14b: {  	[sflag:s8] =	ssyncset.done $0x0  }
0x14c: {  	[sflag:s8] =	ssyncadd.s32 $0xFFFFE000  }
0x14d: {  	_ =	swait.ge [sflag:s8], $0x2000  }
0x14e: {  	[sflag:s8] =	ssyncset.done $0x0  }
0x14f: {  	[sflag:s8] =	ssyncadd.s32 $0xFFFFE000  }
0x150: {  	_ =	swait.ge [sflag:s8], $0x2000  }
0x151: {  	[sflag:s8] =	ssyncset.done $0x0  }
0x152: {  	[sflag:s8] =	ssyncadd.s32 $0xFFFFE000  }
0x153: {  	_ =	swait.ge [sflag:s8], $0x2000  }
0x154: {  	[sflag:s8] =	ssyncset.done $0x0  }
0x155: {  	[sflag:s8] =	ssyncadd.s32 $0xFFFFE000  }
0x156: {  	_ =	swait.ge [sflag:s8], $0x2000  }
0x157: {  	[sflag:s8] =	ssyncset.done $0x0  }
0x158: {  	[sflag:s8] =	ssyncadd.s32 $0xFFFFE000  }
0x159: {  	_ =	swait.ge [sflag:s8], $0x2000  }
0x15a: {  	[sflag:s8] =	ssyncset.done $0x0  }
0x15b: {  	[sflag:s8] =	ssyncadd.s32 $0xFFFFE000  }
0x15c: {  	_ =	swait.ge [sflag:s8], $0x2000  }
0x15d: {  	[sflag:s8] =	ssyncset.done $0x0  }
0x15e: {  	[sflag:s8] =	ssyncadd.s32 $0xFFFFE000  }
0x15f: {  	_ =	swait.ge [sflag:s8], $0x2000  }
0x160: {  	[sflag:s8] =	ssyncset.done $0x0  }
0x161: {  	[sflag:s8] =	ssyncadd.s32 $0xFFFFE000  }
0x162: {  	_ =	swait.ge [sflag:s8], $0x2000  }
0x163: {  	[sflag:s8] =	ssyncset.done $0x0  }
0x164: {  	[sflag:s8] =	ssyncadd.s32 $0xFFFFE000  }
0x165: {  	_ =	swait.ge [sflag:s8], $0x2000  }
0x166: {  	[sflag:s8] =	ssyncset.done $0x0  }
0x167: {  	[sflag:s8] =	ssyncadd.s32 $0xFFFFE000  }
0x168: {  	_ =	swait.ge [sflag:s8], $0x2000  }
0x169: {  	[sflag:s8] =	ssyncset.done $0x0  }
0x16a: {  	[sflag:s8] =	ssyncadd.s32 $0xFFFFE000  }
0x16b: {  	_ =	swait.ge [sflag:s8], $0x2000  }
0x16c: {  	[sflag:s8] =	ssyncset.done $0x0  }
0x16d: {  	[sflag:s8] =	ssyncadd.s32 $0xFFFFE000  }
0x16e: {  	_ =	swait.ge [sflag:s9], $0x10000  }
0x16f: {  	[sflag:s9] =	ssyncset.done $0x0  }
0x170: {  	[sflag:s9] =	ssyncadd.s32 $0xFFFF0000  }
0x171: {  	_ =	swait.ge [sflag:s9], $0x10000  }
0x172: {  	[sflag:s9] =	ssyncset.done $0x0  }
0x173: {  	[sflag:s9] =	ssyncadd.s32 $0xFFFF0000  }
0x174: {  	_ =	swait.ge [sflag:s9], $0x10000  }
0x175: {  	[sflag:s9] =	ssyncset.done $0x0  }
0x176: {  	[sflag:s9] =	ssyncadd.s32 $0xFFFF0000  }
0x177: {  	_ =	swait.ge [sflag:s9], $0x10000  }
0x178: {  	[sflag:s9] =	ssyncset.done $0x0  }
0x179: {  	[sflag:s9] =	ssyncadd.s32 $0xFFFF0000  }
0x17a: {  	_ =	swait.ge [sflag:s9], $0x10000  }
0x17b: {  	[sflag:s9] =	ssyncset.done $0x0  }
0x17c: {  	[sflag:s9] =	ssyncadd.s32 $0xFFFF0000  }
0x17d: {  	_ =	swait.ge [sflag:s9], $0x10000  }
0x17e: {  	[sflag:s9] =	ssyncset.done $0x0  }
0x17f: {  	[sflag:s9] =	ssyncadd.s32 $0xFFFF0000  }
0x180: {  	_ =	swait.ge [sflag:s9], $0x10000  }
0x181: {  	[sflag:s9] =	ssyncset.done $0x0  }
0x182: {  	[sflag:s9] =	ssyncadd.s32 $0xFFFF0000  }
0x183: {  	_ =	swait.ge [sflag:s9], $0x10000  }
0x184: {  	[sflag:s9] =	ssyncset.done $0x0  }
0x185: {  	[sflag:s9] =	ssyncadd.s32 $0xFFFF0000  }
0x186: {  	_ =	swait.ge [sflag:s9], $0x10000  }
0x187: {  	[sflag:s9] =	ssyncset.done $0x0  }
0x188: {  	[sflag:s9] =	ssyncadd.s32 $0xFFFF0000  }
0x189: {  	_ =	swait.ge [sflag:s9], $0x10000  }
0x18a: {  	[sflag:s9] =	ssyncset.done $0x0  }
0x18b: {  	[sflag:s9] =	ssyncadd.s32 $0xFFFF0000  }
0x18c: {  	_ =	swait.ge [sflag:s9], $0x10000  }
0x18d: {  	[sflag:s9] =	ssyncset.done $0x0  }
0x18e: {  	[sflag:s9] =	ssyncadd.s32 $0xFFFF0000  }
0x18f: {  	_ =	swait.ge [sflag:s9], $0x10000  }
0x190: {  	[sflag:s9] =	ssyncset.done $0x0  }
0x191: {  	[sflag:s9] =	ssyncadd.s32 $0xFFFF0000  }
0x192: {  	_ =	swait.ge [sflag:s9], $0x10000  }
0x193: {  	[sflag:s9] =	ssyncset.done $0x0  }
0x194: {  	[sflag:s9] =	ssyncadd.s32 $0xFFFF0000  }
0x195: {  	_ =	swait.ge [sflag:s9], $0x10000  }
0x196: {  	[sflag:s9] =	ssyncset.done $0x0  }
0x197: {  	[sflag:s9] =	ssyncadd.s32 $0xFFFF0000  }
0x198: {  	_ =	swait.ge [sflag:s9], $0x10000  }
0x199: {  	[sflag:s9] =	ssyncset.done $0x0  }
0x19a: {  	[sflag:s9] =	ssyncadd.s32 $0xFFFF0000  }
0x19b: {  	_ =	swait.ge [sflag:s9], $0x10000  }
0x19c: {  	[sflag:s9] =	ssyncset.done $0x0  }
0x19d: {  	s0 =	sadd.s32 $0xFFFFFFFF, s31;
	[sflag:s9] =	ssyncadd.s32 $0xFFFF0000  }
0x19e: {  	p1 =	sne.s32 s0, $0x0;
	_ =	swait.ge [sflag:s9], $0x10000  }
.Ltmp0:
0x19f: {  	[sflag:s9] =	ssyncset.done $0x0;
	(pc) =	sbr.rel @p1 .LBB2_1-.Ltmp0, $4  }
0x1a0: {  	[sflag:s9] =	ssyncadd.s32 $0xFFFF0000  }
0x1a1: {  	_ =	swait.ge [sflag:s9], $0x10000  }
0x1a2: {  	[sflag:s9] =	ssyncset.done $0x0  }
0x1a3: {  	[sflag:s9] =	ssyncadd.s32 $0xFFFF0000  }
0x1a4: {  	_ =	sfence.sel $0x180000  }
0x1a5: {  	[bflag:$0x0] =	sbarrier.arrive $0xFFFF  }
0x1a6: {  	_ =	strace $0x90000047  }
0x1a7: {  	[bflag:$0x2] =	sbarrier.arrive $0xFFFF  }
0x1a8: {  	s0 =	rddreg [dreg:$0x4]  }
0x1a9: {  	s0 =	sadd.s32 @!p0 $0x100000, s0  }
0x1aa: {  	[sflag:s0] =	ssyncadd.tile.s32 @!p0 $0x1;
	_ =	shalt  }
.Lfunc_end2:
_tile_overlayer_lowered:
.L_overlay_start_2:
0x1ab: {  	(tag) =	ssettag $0x2  }
0x1ac: {  	s0 =	rddreg [dreg:$0x0];
	s2 =	stileid.u32  }
0x1ad: {  	s1 =	rddreg [dreg:$0x1];
	p0 =	sne.s32 s2, $0x0  }
0x1ae: {  	s3 =	rddreg [dreg:$0x2];
	[bflag:$0x3] =	sbarrier.arrive $0xFFFF;
	s2 =	simm.s32 @!p0 $0x1C04  }
0x1af: {  	[timem:s3], [sflag:s2] =	dma.local @!p0 [hbm:s0], s1  }
0x1b0: {  	s0 =	simm.s32 @!p0 $0x4  }
0x1b1: {  	_ =	swait.ge @!p0 [sflag:s0], s1  }
0x1b2: {  	s1 =	ssub.s32 @!p0 $0x0, s1;
	[sflag:s0] =	ssyncset.done @!p0 $0x0  }
0x1b3: {  	[sflag:s0] =	ssyncadd.s32 @!p0 s1  }
0x1b4: {  	[bflag:$0x3] =	sbarrier.arrive $0xFFFF  }
0x1b5: {  	_ =	shalt  }

</sc_bundles>
